<compile_context>
chip_gen: v7x
topology: tpu7x:2x2x1
jax: 0.10.2.dev20260603
libtpu: 0.0.44.dev20260713+nightly
codegen_flags: <defaults>
</compile_context>

<pallas_src>
import jax
import jax.numpy as jnp
from jax import lax
from jax.experimental import pallas as pl
from jax.experimental.pallas import tpu as pltpu
from jax.experimental.pallas import tpu_sc as plsc

_NUM_CLASSES = 128
_N_SUPPORT = 160000
_N_QUERY = 4096
_D_IN = 128
_D_EMB = 64

_BLK = 256
_SC_ROWS = 102400
_TC_ROWS = _N_SUPPORT - _SC_ROWS
_TCB = 1600
_NBLK = _SC_ROWS // _BLK
_NW = 32
_K_MAX = -(-_NBLK // _NW)


def _sc_body(x_hbm, lbl_hbm, sums_hbm, cnt_hbm,
             buf0, buf1, la0, lb0, la1, lb1, zer, cntv, stage_v,
             sums_acc, cnt_stage, sem0, sem1):
    cid = lax.axis_index("c")
    sid = lax.axis_index("s")
    wid = sid * 2 + cid

    zero16 = jnp.zeros((16,), jnp.float32)
    one16 = jnp.ones((16,), jnp.float32)

    def _fill_zer(i, c):
        for j in range(_D_IN // 16):
            zer[i, pl.ds(j * 16, 16)] = zero16
        return c

    lax.fori_loop(0, 8, _fill_zer, 0)
    for j in range(_NUM_CLASSES // 16):
        cntv[pl.ds(j * 16, 16)] = zero16

    pltpu.sync_copy(zer, sums_acc.at[pl.ds(sid * 8, 8)])
    plsc.subcore_barrier()

    bufs = (buf0, buf1)
    lbls = ((la0, lb0), (la1, lb1))
    sems = (sem0, sem1)

    def _issue(k, slot):
        blk = k * _NW + wid

        @pl.when(blk < _NBLK)
        def _():
            base = blk * _BLK
            pltpu.async_copy(x_hbm.at[pl.ds(base, _BLK)], bufs[slot], sems[slot])
            pltpu.async_copy(lbl_hbm.at[pl.ds(base, 128)], lbls[slot][0], sems[slot])
            pltpu.async_copy(lbl_hbm.at[pl.ds(base + 128, 128)], lbls[slot][1], sems[slot])

    def _drain_scatter(k, slot):
        blk = k * _NW + wid

        @pl.when(blk < _NBLK)
        def _():
            base = blk * _BLK
            pltpu.make_async_copy(
                x_hbm.at[pl.ds(base, _BLK)], bufs[slot], sems[slot]).wait()
            pltpu.make_async_copy(
                lbl_hbm.at[pl.ds(base, 128)], lbls[slot][0], sems[slot]).wait()
            pltpu.make_async_copy(
                lbl_hbm.at[pl.ds(base + 128, 128)], lbls[slot][1], sems[slot]).wait()
            pltpu.sync_copy(bufs[slot].at[pl.ds(0, 128)],
                            sums_acc.at[lbls[slot][0]], add=True)
            pltpu.sync_copy(bufs[slot].at[pl.ds(128, 128)],
                            sums_acc.at[lbls[slot][1]], add=True)
            for p in range(2):
                for j in range(128 // 16):
                    lv = lbls[slot][p][pl.ds(j * 16, 16)]
                    plsc.addupdate_scatter(cntv, [lv], one16)

    for slot in range(2):
        _issue(slot, slot)

    def _step(kk, c):
        for slot in range(2):
            k = kk * 2 + slot
            _drain_scatter(k, slot)
            _issue(k + 2, slot)
        return c

    lax.fori_loop(0, -(-_K_MAX // 2), _step, 0)
    pltpu.sync_copy(cntv, cnt_stage.at[sid])
    plsc.subcore_barrier()

    @pl.when(sid == 0)
    def _():
        pltpu.sync_copy(sums_acc, sums_hbm.at[cid])
        pltpu.sync_copy(cnt_stage, stage_v)
        for j in range(_NUM_CLASSES // 16):
            acc = stage_v[0, pl.ds(j * 16, 16)]
            for r in range(1, 16):
                acc = acc + stage_v[r, pl.ds(j * 16, 16)]
            cntv[pl.ds(j * 16, 16)] = acc
        pltpu.sync_copy(cntv, cnt_hbm.at[cid])


def _make_sc_call():
    mesh = plsc.VectorSubcoreMesh(core_axis_name="c", subcore_axis_name="s")
    return pl.kernel(
        _sc_body,
        out_type=(
            jax.ShapeDtypeStruct((2, _NUM_CLASSES, _D_IN), jnp.float32),
            jax.ShapeDtypeStruct((2, _NUM_CLASSES), jnp.float32),
        ),
        mesh=mesh,
        compiler_params=pltpu.CompilerParams(needs_layout_passes=False),
        scratch_types=[
            pltpu.VMEM((_BLK, _D_IN), jnp.float32),
            pltpu.VMEM((_BLK, _D_IN), jnp.float32),
            pltpu.VMEM((128,), jnp.int32),
            pltpu.VMEM((128,), jnp.int32),
            pltpu.VMEM((128,), jnp.int32),
            pltpu.VMEM((128,), jnp.int32),
            pltpu.VMEM((8, _D_IN), jnp.float32),
            pltpu.VMEM((_NUM_CLASSES,), jnp.float32),
            pltpu.VMEM((16, _NUM_CLASSES), jnp.float32),
            pltpu.VMEM_SHARED((_NUM_CLASSES, _D_IN), jnp.float32),
            pltpu.VMEM_SHARED((16, _NUM_CLASSES), jnp.float32),
            pltpu.SemaphoreType.DMA,
            pltpu.SemaphoreType.DMA,
        ],
    )


def _seg_body(lab_ref, x_ref, tsum_ref, tcnt_ref):
    i = pl.program_id(0)
    lab = lab_ref[0]
    iota = lax.broadcasted_iota(jnp.int32, (_NUM_CLASSES, _TCB), 0)
    oh = jnp.where(lab == iota, 1.0, 0.0)
    psum = jnp.dot(oh, x_ref[...], preferred_element_type=jnp.float32)
    pcnt = jnp.dot(oh, jnp.ones((_TCB, 8), jnp.float32),
                   preferred_element_type=jnp.float32)

    @pl.when(i == 0)
    def _():
        tsum_ref[...] = psum
        tcnt_ref[...] = pcnt

    @pl.when(i > 0)
    def _():
        tsum_ref[...] += psum
        tcnt_ref[...] += pcnt


def _seg_call(lab_tc, support_set, interpret=False):
    nsteps = _TC_ROWS // _TCB
    blk0 = _SC_ROWS // _TCB
    return pl.pallas_call(
        _seg_body,
        grid=(nsteps,),
        in_specs=[
            pl.BlockSpec((1, 1, _TCB), lambda i: (i, 0, 0)),
            pl.BlockSpec((_TCB, _D_IN), lambda i: (i + blk0, 0)),
        ],
        out_specs=[
            pl.BlockSpec((_NUM_CLASSES, _D_IN), lambda i: (0, 0)),
            pl.BlockSpec((_NUM_CLASSES, 8), lambda i: (0, 0)),
        ],
        out_shape=[
            jax.ShapeDtypeStruct((_NUM_CLASSES, _D_IN), jnp.float32),
            jax.ShapeDtypeStruct((_NUM_CLASSES, 8), jnp.float32),
        ],
        interpret=interpret,
    )(lab_tc, support_set)


_BQ = 1024


def _qe_body(q_ref, w_ref, b_ref, qe_ref):
    qe_ref[...] = (jnp.dot(q_ref[...], w_ref[...],
                           preferred_element_type=jnp.float32) + b_ref[...])


def _qe_call(query_set, W, b2, interpret=False):
    return pl.pallas_call(
        _qe_body,
        grid=(_N_QUERY // _BQ,),
        in_specs=[
            pl.BlockSpec((_BQ, _D_IN), lambda i: (i, 0)),
            pl.BlockSpec((_D_IN, _D_EMB), lambda i: (0, 0)),
            pl.BlockSpec((1, _D_EMB), lambda i: (0, 0)),
        ],
        out_specs=pl.BlockSpec((_BQ, _D_EMB), lambda i: (i, 0)),
        out_shape=jax.ShapeDtypeStruct((_N_QUERY, _D_EMB), jnp.float32),
        interpret=interpret,
    )(query_set, W, b2)


def _tc_body(sums_ref, cnt_ref, tsum_ref, tcnt_ref, w_ref, b_ref, qe_ref,
             prob_ref, dist_ref):
    S = sums_ref[0] + sums_ref[1] + tsum_ref[...]
    crow = cnt_ref[0:1, :] + cnt_ref[1:2, :]
    r_i = lax.broadcasted_iota(jnp.int32, (_NUM_CLASSES, _NUM_CLASSES), 0)
    c_i = lax.broadcasted_iota(jnp.int32, (_NUM_CLASSES, _NUM_CLASSES), 1)
    diag = jnp.where(r_i == c_i, jnp.broadcast_to(crow, r_i.shape), 0.0)
    cntcol = jnp.sum(diag, axis=1, keepdims=True) + tcnt_ref[:, 0:1]
    W = w_ref[...]
    b = b_ref[...]
    SW = jnp.dot(S, W, preferred_element_type=jnp.float32)
    proto = (SW + cntcol * b) / jnp.maximum(cntcol, 1.0)

    qe = qe_ref[...]
    qn = jnp.sum(qe * qe, axis=1, keepdims=True)
    pn = jnp.sum(proto * proto, axis=1)[None, :]
    cross = jnp.dot(qe, proto.T, preferred_element_type=jnp.float32)
    d = qn + pn - 2.0 * cross
    dist_ref[...] = d
    nd = -d
    m = jnp.max(nd, axis=1, keepdims=True)
    e = jnp.exp(nd - m)
    prob_ref[...] = e / jnp.sum(e, axis=1, keepdims=True)


def _tc_call(sums, cnt, tsum, tcnt, W, b2, qe, interpret=False):
    grid = (_N_QUERY // _BQ,)
    return pl.pallas_call(
        _tc_body,
        grid=grid,
        in_specs=[
            pl.BlockSpec((2, _NUM_CLASSES, _D_IN), lambda i: (0, 0, 0)),
            pl.BlockSpec((2, _NUM_CLASSES), lambda i: (0, 0)),
            pl.BlockSpec((_NUM_CLASSES, _D_IN), lambda i: (0, 0)),
            pl.BlockSpec((_NUM_CLASSES, 8), lambda i: (0, 0)),
            pl.BlockSpec((_D_IN, _D_EMB), lambda i: (0, 0)),
            pl.BlockSpec((1, _D_EMB), lambda i: (0, 0)),
            pl.BlockSpec((_BQ, _D_EMB), lambda i: (i, 0)),
        ],
        out_specs=[
            pl.BlockSpec((_BQ, _NUM_CLASSES), lambda i: (i, 0)),
            pl.BlockSpec((_BQ, _NUM_CLASSES), lambda i: (i, 0)),
        ],
        out_shape=[
            jax.ShapeDtypeStruct((_N_QUERY, _NUM_CLASSES), jnp.float32),
            jax.ShapeDtypeStruct((_N_QUERY, _NUM_CLASSES), jnp.float32),
        ],
        interpret=interpret,
    )(sums, cnt, tsum, tcnt, W, b2, qe)


def kernel(support_set, support_labels, query_set, W, b):
    labels = support_labels.astype(jnp.int32)
    b2 = b.reshape(1, _D_EMB)
    lab_tc = labels[_SC_ROWS:].reshape(_TC_ROWS // _TCB, 1, _TCB)
    qe = _qe_call(query_set, W, b2)
    tsum, tcnt = _seg_call(lab_tc, support_set)
    sums, cnt = _make_sc_call()(support_set, labels)
    prob, dist = _tc_call(sums, cnt, tsum, tcnt, W, b2, qe)
    class_labels = jnp.arange(_NUM_CLASSES, dtype=support_labels.dtype)
    return (prob, class_labels, dist)

# --- scband reference (transcript-rebuilt; emitter-appended) ---
"""Pipeline reference for scband-prototypical-network-26190710571394 (READ-ONLY COPY).

The authoritative reference and input builder live on the scoring server;
editing this copy changes nothing except your own understanding.
"""

import jax, jax.numpy as jnp
import numpy as np

NUM_CLASSES = 128
N_SUPPORT = 160000
N_QUERY = 4096
D_IN = 128
D_EMB = 64


def setup_inputs(seed: int = 0) -> dict:
    key = jax.random.key(seed)
    k1, k2, k3, k4 = jax.random.split(key, 4)
    support_set = jax.random.normal(k1, (N_SUPPORT, D_IN), dtype=jnp.float32)
    support_labels = jnp.sort(jax.random.randint(k2, (N_SUPPORT,), 0, NUM_CLASSES)).astype(jnp.int64)
    query_set = jax.random.normal(k3, (N_QUERY, D_IN), dtype=jnp.float32)
    # encoder parameters (Dense(64)) sized per init_kwargs
    W = jax.random.normal(k4, (D_IN, D_EMB), dtype=jnp.float32) * 0.05
    b = jnp.zeros((D_EMB,), dtype=jnp.float32)
    return {"support_set": support_set, "support_labels": support_labels, "query_set": query_set, "W": W, "b": b}


def reference(support_set, support_labels, query_set, W, b):
    # encoder(support_set) -- Dense encoder
    support_emb = support_set @ W + b
    seg_ids = support_labels.astype(jnp.int32)
    # compute_prototypes: per-class mean of embeddings (the tf.unique + boolean_mask
    # loop is exactly a segment-mean over the label ids; labels are sorted so
    # unique_labels == arange(NUM_CLASSES) here since all classes are present)
    sums = jax.ops.segment_sum(support_emb, seg_ids, num_segments=NUM_CLASSES)
    counts = jax.ops.segment_sum(jnp.ones((support_emb.shape[0],), dtype=jnp.float32), seg_ids, num_segments=NUM_CLASSES)
    prototypes = sums / jnp.maximum(counts, 1.0)[:, None]
    class_labels = jnp.arange(NUM_CLASSES, dtype=support_labels.dtype)
    # encoder(query_set)
    query_emb = query_set @ W + b
    # euclidean_distance: expand dims + squared diff sum
    query_exp = query_emb[:, None, :]
    proto_exp = prototypes[None, :, :]
    distances = jnp.sum(jnp.square(query_exp - proto_exp), axis=2)
    probabilities = jax.nn.softmax(-distances, axis=-1)
    return (probabilities, class_labels, distances)

if __name__ == "__main__":
    import jax
    _d = setup_inputs()
    print(jax.jit(kernel)(*tuple(_d.values())))

</pallas_src>

<mosaic_0001>
#map = affine_map<(d0, d1) -> (0, 0)>
#map1 = affine_map<(d0, d1) -> (0)>
#map2 = affine_map<(d0, d1) -> (0, 0, 0)>
module attributes {stable_mosaic.version = 14 : i64} {
  func.func @_sc_body(%arg0: i32, %arg1: i32, %arg2: memref<160000x128xf32, #tpu.memory_space<hbm>>, %arg3: memref<160000xi32, #tpu.memory_space<hbm>>, %arg4: memref<2x128x128xf32, #tpu.memory_space<hbm>>, %arg5: memref<2x128xf32, #tpu.memory_space<hbm>>, %arg6: memref<256x128xf32, #tpu.memory_space<vmem>>, %arg7: memref<256x128xf32, #tpu.memory_space<vmem>>, %arg8: memref<128xi32, #tpu.memory_space<vmem>>, %arg9: memref<128xi32, #tpu.memory_space<vmem>>, %arg10: memref<128xi32, #tpu.memory_space<vmem>>, %arg11: memref<128xi32, #tpu.memory_space<vmem>>, %arg12: memref<8x128xf32, #tpu.memory_space<vmem>>, %arg13: memref<128xf32, #tpu.memory_space<vmem>>, %arg14: memref<16x128xf32, #tpu.memory_space<vmem>>, %arg15: memref<128x128xf32, #tpu.memory_space<vmem_shared>>, %arg16: memref<16x128xf32, #tpu.memory_space<vmem_shared>>, %arg17: memref<!tpu.dma_semaphore, #tpu.memory_space<semaphore_mem>>, %arg18: memref<!tpu.dma_semaphore, #tpu.memory_space<semaphore_mem>>) attributes {dimension_semantics = [#tpu.dimension_semantics<core_parallel>, #tpu.dimension_semantics<subcore_parallel>], iteration_bounds = array<i64: 2, 16>, scalar_prefetch = 0 : i64, scratch_operands = 13 : i64, tpu.core_type = #tpu.core_type<sc_vector_subcore>, window_params = [{transform_indices = #map}, {transform_indices = #map1}, {transform_indices = #map2}, {transform_indices = #map}]} {
    %mul3A = arith.constant 2 : i32
    %mul3A_0 = arith.muli %arg1, %mul3A : i32
    %add3A = arith.addi %mul3A_0, %arg0 : i32
    %broadcast_in_dim3A = arith.constant 0.000000e+00 : f32
    %broadcast_in_dim3A_1 = vector.broadcast %broadcast_in_dim3A : f32 to vector<16xf32>
    %broadcast_in_dim3A_2 = arith.constant 1.000000e+00 : f32
    %broadcast_in_dim3A_3 = vector.broadcast %broadcast_in_dim3A_2 : f32 to vector<16xf32>
    %scan3A = arith.constant 0 : i32
    %scan3A_4 = arith.constant 0 : i32
    %scan3A_5 = arith.constant 8 : i32
    %scan3A_6 = arith.addi %scan3A_4, %scan3A_5 : i32
    %scan3A_7 = arith.constant 1 : i32
    scf.for %scan3A_48 = %scan3A_4 to %scan3A_6 step %scan3A_7  : i32 {
      %swap3A_49 = arith.index_cast %scan3A_48 : i32 to index
      %swap3A_50 = arith.constant 0 : index
      %swap3A_51 = tpu.vector_load %arg12[%swap3A_49, %swap3A_50] {strides = array<i32>} : memref<8x128xf32, #tpu.memory_space<vmem>>, vector<16xf32>,
      tpu.vector_store %arg12[%swap3A_49, %swap3A_50], %broadcast_in_dim3A_1 {strides = array<i32>} : memref<8x128xf32, #tpu.memory_space<vmem>>, vector<16xf32>,
      %swap3A_52 = arith.index_cast %scan3A_48 : i32 to index
      %swap3A_53 = arith.constant 16 : index
      %swap3A_54 = tpu.vector_load %arg12[%swap3A_52, %swap3A_53] {strides = array<i32>} : memref<8x128xf32, #tpu.memory_space<vmem>>, vector<16xf32>,
      tpu.vector_store %arg12[%swap3A_52, %swap3A_53], %broadcast_in_dim3A_1 {strides = array<i32>} : memref<8x128xf32, #tpu.memory_space<vmem>>, vector<16xf32>,
      %swap3A_55 = arith.index_cast %scan3A_48 : i32 to index
      %swap3A_56 = arith.constant 32 : index
      %swap3A_57 = tpu.vector_load %arg12[%swap3A_55, %swap3A_56] {strides = array<i32>} : memref<8x128xf32, #tpu.memory_space<vmem>>, vector<16xf32>,
      tpu.vector_store %arg12[%swap3A_55, %swap3A_56], %broadcast_in_dim3A_1 {strides = array<i32>} : memref<8x128xf32, #tpu.memory_space<vmem>>, vector<16xf32>,
      %swap3A_58 = arith.index_cast %scan3A_48 : i32 to index
      %swap3A_59 = arith.constant 48 : index
      %swap3A_60 = tpu.vector_load %arg12[%swap3A_58, %swap3A_59] {strides = array<i32>} : memref<8x128xf32, #tpu.memory_space<vmem>>, vector<16xf32>,
      tpu.vector_store %arg12[%swap3A_58, %swap3A_59], %broadcast_in_dim3A_1 {strides = array<i32>} : memref<8x128xf32, #tpu.memory_space<vmem>>, vector<16xf32>,
      %swap3A_61 = arith.index_cast %scan3A_48 : i32 to index
      %swap3A_62 = arith.constant 64 : index
      %swap3A_63 = tpu.vector_load %arg12[%swap3A_61, %swap3A_62] {strides = array<i32>} : memref<8x128xf32, #tpu.memory_space<vmem>>, vector<16xf32>,
      tpu.vector_store %arg12[%swap3A_61, %swap3A_62], %broadcast_in_dim3A_1 {strides = array<i32>} : memref<8x128xf32, #tpu.memory_space<vmem>>, vector<16xf32>,
      %swap3A_64 = arith.index_cast %scan3A_48 : i32 to index
      %swap3A_65 = arith.constant 80 : index
      %swap3A_66 = tpu.vector_load %arg12[%swap3A_64, %swap3A_65] {strides = array<i32>} : memref<8x128xf32, #tpu.memory_space<vmem>>, vector<16xf32>,
      tpu.vector_store %arg12[%swap3A_64, %swap3A_65], %broadcast_in_dim3A_1 {strides = array<i32>} : memref<8x128xf32, #tpu.memory_space<vmem>>, vector<16xf32>,
      %swap3A_67 = arith.index_cast %scan3A_48 : i32 to index
      %swap3A_68 = arith.constant 96 : index
      %swap3A_69 = tpu.vector_load %arg12[%swap3A_67, %swap3A_68] {strides = array<i32>} : memref<8x128xf32, #tpu.memory_space<vmem>>, vector<16xf32>,
      tpu.vector_store %arg12[%swap3A_67, %swap3A_68], %broadcast_in_dim3A_1 {strides = array<i32>} : memref<8x128xf32, #tpu.memory_space<vmem>>, vector<16xf32>,
      %swap3A_70 = arith.index_cast %scan3A_48 : i32 to index
      %swap3A_71 = arith.constant 112 : index
      %swap3A_72 = tpu.vector_load %arg12[%swap3A_70, %swap3A_71] {strides = array<i32>} : memref<8x128xf32, #tpu.memory_space<vmem>>, vector<16xf32>,
      tpu.vector_store %arg12[%swap3A_70, %swap3A_71], %broadcast_in_dim3A_1 {strides = array<i32>} : memref<8x128xf32, #tpu.memory_space<vmem>>, vector<16xf32>,
    }
    %scan3A_8 = arith.constant 8 : i32
    %swap3A = arith.constant 0 : index
    %swap3A_9 = tpu.vector_load %arg13[%swap3A] {strides = array<i32>} : memref<128xf32, #tpu.memory_space<vmem>>, vector<16xf32>,
    tpu.vector_store %arg13[%swap3A], %broadcast_in_dim3A_1 {strides = array<i32>} : memref<128xf32, #tpu.memory_space<vmem>>, vector<16xf32>,
    %swap3A_10 = arith.constant 16 : index
    %swap3A_11 = tpu.vector_load %arg13[%swap3A_10] {strides = array<i32>} : memref<128xf32, #tpu.memory_space<vmem>>, vector<16xf32>,
    tpu.vector_store %arg13[%swap3A_10], %broadcast_in_dim3A_1 {strides = array<i32>} : memref<128xf32, #tpu.memory_space<vmem>>, vector<16xf32>,
    %swap3A_12 = arith.constant 32 : index
    %swap3A_13 = tpu.vector_load %arg13[%swap3A_12] {strides = array<i32>} : memref<128xf32, #tpu.memory_space<vmem>>, vector<16xf32>,
    tpu.vector_store %arg13[%swap3A_12], %broadcast_in_dim3A_1 {strides = array<i32>} : memref<128xf32, #tpu.memory_space<vmem>>, vector<16xf32>,
    %swap3A_14 = arith.constant 48 : index
    %swap3A_15 = tpu.vector_load %arg13[%swap3A_14] {strides = array<i32>} : memref<128xf32, #tpu.memory_space<vmem>>, vector<16xf32>,
    tpu.vector_store %arg13[%swap3A_14], %broadcast_in_dim3A_1 {strides = array<i32>} : memref<128xf32, #tpu.memory_space<vmem>>, vector<16xf32>,
    %swap3A_16 = arith.constant 64 : index
    %swap3A_17 = tpu.vector_load %arg13[%swap3A_16] {strides = array<i32>} : memref<128xf32, #tpu.memory_space<vmem>>, vector<16xf32>,
    tpu.vector_store %arg13[%swap3A_16], %broadcast_in_dim3A_1 {strides = array<i32>} : memref<128xf32, #tpu.memory_space<vmem>>, vector<16xf32>,
    %swap3A_18 = arith.constant 80 : index
    %swap3A_19 = tpu.vector_load %arg13[%swap3A_18] {strides = array<i32>} : memref<128xf32, #tpu.memory_space<vmem>>, vector<16xf32>,
    tpu.vector_store %arg13[%swap3A_18], %broadcast_in_dim3A_1 {strides = array<i32>} : memref<128xf32, #tpu.memory_space<vmem>>, vector<16xf32>,
    %swap3A_20 = arith.constant 96 : index
    %swap3A_21 = tpu.vector_load %arg13[%swap3A_20] {strides = array<i32>} : memref<128xf32, #tpu.memory_space<vmem>>, vector<16xf32>,
    tpu.vector_store %arg13[%swap3A_20], %broadcast_in_dim3A_1 {strides = array<i32>} : memref<128xf32, #tpu.memory_space<vmem>>, vector<16xf32>,
    %swap3A_22 = arith.constant 112 : index
    %swap3A_23 = tpu.vector_load %arg13[%swap3A_22] {strides = array<i32>} : memref<128xf32, #tpu.memory_space<vmem>>, vector<16xf32>,
    tpu.vector_store %arg13[%swap3A_22], %broadcast_in_dim3A_1 {strides = array<i32>} : memref<128xf32, #tpu.memory_space<vmem>>, vector<16xf32>,
    %mul3A_24 = arith.constant 8 : i32
    %mul3A_25 = arith.muli %arg1, %mul3A_24 : i32
    "tpu.region"() ({
      %run_scoped3A = tpu.sem_alloc : memref<!tpu.dma_semaphore, #tpu.memory_space<semaphore_mem>>
      %dma_start3A = arith.constant 0 : i32
      %dma_start3A_48 = tpu.memref_slice %arg15[%mul3A_25, %dma_start3A] : memref<128x128xf32, #tpu.memory_space<vmem_shared>> -> memref<8x128xf32, #tpu.memory_space<vmem_shared>>
      %dma_start3A_49 = arith.constant 0 : i32
      %dma_start3A_50 = tpu.memref_slice %arg15[%mul3A_25, %dma_start3A_49] : memref<128x128xf32, #tpu.memory_space<vmem_shared>> -> memref<8x128xf32, #tpu.memory_space<vmem_shared>>
      tpu.enqueue_dma source(%arg12 : memref<8x128xf32, #tpu.memory_space<vmem>>) target(%dma_start3A_50 : memref<8x128xf32, #tpu.memory_space<vmem_shared>>) target_semaphore(%run_scoped3A : memref<!tpu.dma_semaphore, #tpu.memory_space<semaphore_mem>>)
      %dma_wait3A = arith.constant 0 : i32
      %dma_wait3A_51 = tpu.memref_slice %arg15[%mul3A_25, %dma_wait3A] : memref<128x128xf32, #tpu.memory_space<vmem_shared>> -> memref<8x128xf32, #tpu.memory_space<vmem_shared>>
      %dma_wait3A_52 = arith.constant 0 : i32
      %dma_wait3A_53 = tpu.memref_slice %arg15[%mul3A_25, %dma_wait3A_52] : memref<128x128xf32, #tpu.memory_space<vmem_shared>> -> memref<8x128xf32, #tpu.memory_space<vmem_shared>>
      tpu.wait_dma2 semaphore(%run_scoped3A : memref<!tpu.dma_semaphore, #tpu.memory_space<semaphore_mem>>) src(%arg12 : memref<8x128xf32, #tpu.memory_space<vmem>>) dst(%dma_wait3A_53 : memref<8x128xf32, #tpu.memory_space<vmem_shared>>)
      tpu.yield
    }) : () -> ()
    %barrier3A = arith.constant 0 : index
    tpu.barrier barrier_id(%barrier3A)
    %add3A_26 = arith.constant 0 : i32
    %add3A_27 = arith.addi %add3A_26, %add3A : i32
    %lt3A = arith.constant 400 : i32
    %lt3A_28 = arith.cmpi slt, %add3A_27, %lt3A : i32
    %convert_element_type3A = arith.extui %lt3A_28 : i1 to i32
    %cond3A = arith.constant 0 : i32
    %cond3A_29 = arith.cmpi ne, %convert_element_type3A, %cond3A : i32
    scf.if %cond3A_29 {
      %mul3A_48 = arith.constant 256 : i32
      %mul3A_49 = arith.muli %add3A_27, %mul3A_48 : i32
      %dma_start3A = arith.constant 0 : i32
      %dma_start3A_50 = tpu.memref_slice %arg2[%mul3A_49, %dma_start3A] : memref<160000x128xf32, #tpu.memory_space<hbm>> -> memref<256x128xf32, #tpu.memory_space<hbm>>
      %dma_start3A_51 = arith.constant 0 : i32
      %dma_start3A_52 = tpu.memref_slice %arg2[%mul3A_49, %dma_start3A_51] : memref<160000x128xf32, #tpu.memory_space<hbm>> -> memref<256x128xf32, #tpu.memory_space<hbm>>
      tpu.enqueue_dma source(%dma_start3A_52 : memref<256x128xf32, #tpu.memory_space<hbm>>) target(%arg6 : memref<256x128xf32, #tpu.memory_space<vmem>>) target_semaphore(%arg17 : memref<!tpu.dma_semaphore, #tpu.memory_space<semaphore_mem>>)
      %dma_start3A_53 = tpu.memref_slice %arg3[%mul3A_49] : memref<160000xi32, #tpu.memory_space<hbm>> -> memref<128xi32, #tpu.memory_space<hbm>>
      %dma_start3A_54 = tpu.memref_slice %arg3[%mul3A_49] : memref<160000xi32, #tpu.memory_space<hbm>> -> memref<128xi32, #tpu.memory_space<hbm>>
      tpu.enqueue_dma source(%dma_start3A_54 : memref<128xi32, #tpu.memory_space<hbm>>) target(%arg8 : memref<128xi32, #tpu.memory_space<vmem>>) target_semaphore(%arg17 : memref<!tpu.dma_semaphore, #tpu.memory_space<semaphore_mem>>)
      %add3A_55 = arith.constant 128 : i32
      %add3A_56 = arith.addi %mul3A_49, %add3A_55 : i32
      %dma_start3A_57 = tpu.memref_slice %arg3[%add3A_56] : memref<160000xi32, #tpu.memory_space<hbm>> -> memref<128xi32, #tpu.memory_space<hbm>>
      %dma_start3A_58 = tpu.memref_slice %arg3[%add3A_56] : memref<160000xi32, #tpu.memory_space<hbm>> -> memref<128xi32, #tpu.memory_space<hbm>>
      tpu.enqueue_dma source(%dma_start3A_58 : memref<128xi32, #tpu.memory_space<hbm>>) target(%arg9 : memref<128xi32, #tpu.memory_space<vmem>>) target_semaphore(%arg17 : memref<!tpu.dma_semaphore, #tpu.memory_space<semaphore_mem>>)
    } else {
    }
    %add3A_30 = arith.constant 32 : i32
    %add3A_31 = arith.addi %add3A_30, %add3A : i32
    %lt3A_32 = arith.constant 400 : i32
    %lt3A_33 = arith.cmpi slt, %add3A_31, %lt3A_32 : i32
    %convert_element_type3A_34 = arith.extui %lt3A_33 : i1 to i32
    %cond3A_35 = arith.constant 0 : i32
    %cond3A_36 = arith.cmpi ne, %convert_element_type3A_34, %cond3A_35 : i32
    scf.if %cond3A_36 {
      %mul3A_48 = arith.constant 256 : i32
      %mul3A_49 = arith.muli %add3A_31, %mul3A_48 : i32
      %dma_start3A = arith.constant 0 : i32
      %dma_start3A_50 = tpu.memref_slice %arg2[%mul3A_49, %dma_start3A] : memref<160000x128xf32, #tpu.memory_space<hbm>> -> memref<256x128xf32, #tpu.memory_space<hbm>>
      %dma_start3A_51 = arith.constant 0 : i32
      %dma_start3A_52 = tpu.memref_slice %arg2[%mul3A_49, %dma_start3A_51] : memref<160000x128xf32, #tpu.memory_space<hbm>> -> memref<256x128xf32, #tpu.memory_space<hbm>>
      tpu.enqueue_dma source(%dma_start3A_52 : memref<256x128xf32, #tpu.memory_space<hbm>>) target(%arg7 : memref<256x128xf32, #tpu.memory_space<vmem>>) target_semaphore(%arg18 : memref<!tpu.dma_semaphore, #tpu.memory_space<semaphore_mem>>)
      %dma_start3A_53 = tpu.memref_slice %arg3[%mul3A_49] : memref<160000xi32, #tpu.memory_space<hbm>> -> memref<128xi32, #tpu.memory_space<hbm>>
      %dma_start3A_54 = tpu.memref_slice %arg3[%mul3A_49] : memref<160000xi32, #tpu.memory_space<hbm>> -> memref<128xi32, #tpu.memory_space<hbm>>
      tpu.enqueue_dma source(%dma_start3A_54 : memref<128xi32, #tpu.memory_space<hbm>>) target(%arg10 : memref<128xi32, #tpu.memory_space<vmem>>) target_semaphore(%arg18 : memref<!tpu.dma_semaphore, #tpu.memory_space<semaphore_mem>>)
      %add3A_55 = arith.constant 128 : i32
      %add3A_56 = arith.addi %mul3A_49, %add3A_55 : i32
      %dma_start3A_57 = tpu.memref_slice %arg3[%add3A_56] : memref<160000xi32, #tpu.memory_space<hbm>> -> memref<128xi32, #tpu.memory_space<hbm>>
      %dma_start3A_58 = tpu.memref_slice %arg3[%add3A_56] : memref<160000xi32, #tpu.memory_space<hbm>> -> memref<128xi32, #tpu.memory_space<hbm>>
      tpu.enqueue_dma source(%dma_start3A_58 : memref<128xi32, #tpu.memory_space<hbm>>) target(%arg11 : memref<128xi32, #tpu.memory_space<vmem>>) target_semaphore(%arg18 : memref<!tpu.dma_semaphore, #tpu.memory_space<semaphore_mem>>)
    } else {
    }
    %scan3A_37 = arith.constant 0 : i32
    %scan3A_38 = arith.constant 0 : i32
    %scan3A_39 = arith.constant 7 : i32
    %scan3A_40 = arith.addi %scan3A_38, %scan3A_39 : i32
    %scan3A_41 = arith.constant 1 : i32
    scf.for %scan3A_48 = %scan3A_38 to %scan3A_40 step %scan3A_41  : i32 {
      %mul3A_49 = arith.constant 2 : i32
      %mul3A_50 = arith.muli %scan3A_48, %mul3A_49 : i32
      %add3A_51 = arith.constant 0 : i32
      %add3A_52 = arith.addi %mul3A_50, %add3A_51 : i32
      %mul3A_53 = arith.constant 32 : i32
      %mul3A_54 = arith.muli %add3A_52, %mul3A_53 : i32
      %add3A_55 = arith.addi %mul3A_54, %add3A : i32
      %lt3A_56 = arith.constant 400 : i32
      %lt3A_57 = arith.cmpi slt, %add3A_55, %lt3A_56 : i32
      %convert_element_type3A_58 = arith.extui %lt3A_57 : i1 to i32
      %cond3A_59 = arith.constant 0 : i32
      %cond3A_60 = arith.cmpi ne, %convert_element_type3A_58, %cond3A_59 : i32
      scf.if %cond3A_60 {
        %mul3A_93 = arith.constant 256 : i32
        %mul3A_94 = arith.muli %add3A_55, %mul3A_93 : i32
        %dma_wait3A = arith.constant 0 : i32
        %dma_wait3A_95 = tpu.memref_slice %arg2[%mul3A_94, %dma_wait3A] : memref<160000x128xf32, #tpu.memory_space<hbm>> -> memref<256x128xf32, #tpu.memory_space<hbm>>
        %dma_wait3A_96 = arith.constant 0 : i32
        %dma_wait3A_97 = tpu.memref_slice %arg2[%mul3A_94, %dma_wait3A_96] : memref<160000x128xf32, #tpu.memory_space<hbm>> -> memref<256x128xf32, #tpu.memory_space<hbm>>
        tpu.wait_dma2 semaphore(%arg17 : memref<!tpu.dma_semaphore, #tpu.memory_space<semaphore_mem>>) src(%dma_wait3A_97 : memref<256x128xf32, #tpu.memory_space<hbm>>) dst(%arg6 : memref<256x128xf32, #tpu.memory_space<vmem>>)
        %dma_wait3A_98 = tpu.memref_slice %arg3[%mul3A_94] : memref<160000xi32, #tpu.memory_space<hbm>> -> memref<128xi32, #tpu.memory_space<hbm>>
        %dma_wait3A_99 = tpu.memref_slice %arg3[%mul3A_94] : memref<160000xi32, #tpu.memory_space<hbm>> -> memref<128xi32, #tpu.memory_space<hbm>>
        tpu.wait_dma2 semaphore(%arg17 : memref<!tpu.dma_semaphore, #tpu.memory_space<semaphore_mem>>) src(%dma_wait3A_99 : memref<128xi32, #tpu.memory_space<hbm>>) dst(%arg8 : memref<128xi32, #tpu.memory_space<vmem>>)
        %add3A_100 = arith.constant 128 : i32
        %add3A_101 = arith.addi %mul3A_94, %add3A_100 : i32
        %dma_wait3A_102 = tpu.memref_slice %arg3[%add3A_101] : memref<160000xi32, #tpu.memory_space<hbm>> -> memref<128xi32, #tpu.memory_space<hbm>>
        %dma_wait3A_103 = tpu.memref_slice %arg3[%add3A_101] : memref<160000xi32, #tpu.memory_space<hbm>> -> memref<128xi32, #tpu.memory_space<hbm>>
        tpu.wait_dma2 semaphore(%arg17 : memref<!tpu.dma_semaphore, #tpu.memory_space<semaphore_mem>>) src(%dma_wait3A_103 : memref<128xi32, #tpu.memory_space<hbm>>) dst(%arg9 : memref<128xi32, #tpu.memory_space<vmem>>)
        "tpu.region"() ({
          %run_scoped3A = tpu.sem_alloc : memref<!tpu.dma_semaphore, #tpu.memory_space<semaphore_mem>>
          %dma_start3A = arith.constant 0 : i32
          %dma_start3A_135 = arith.constant 0 : i32
          %dma_start3A_136 = tpu.memref_slice %arg6[%dma_start3A, %dma_start3A_135] : memref<256x128xf32, #tpu.memory_space<vmem>> -> memref<128x128xf32, #tpu.memory_space<vmem>>
          %dma_start3A_137 = arith.constant 0 : i32
          %dma_start3A_138 = arith.constant 0 : i32
          %dma_start3A_139 = tpu.memref_slice %arg15[%dma_start3A_137, %dma_start3A_138] : memref<128x128xf32, #tpu.memory_space<vmem_shared>> -> memref<128x128xf32, #tpu.memory_space<vmem_shared>>
          tpu.enqueue_indirect_dma source(%dma_start3A_136 : memref<128x128xf32, #tpu.memory_space<vmem>>) target(%dma_start3A_139 : memref<128x128xf32, #tpu.memory_space<vmem_shared>>) offsets(%arg8 : memref<128xi32, #tpu.memory_space<vmem>>) semaphore(%run_scoped3A : memref<!tpu.dma_semaphore, #tpu.memory_space<semaphore_mem>>) {add = true}
          %dma_wait3A_140 = arith.constant 0 : i32
          %dma_wait3A_141 = arith.constant 0 : i32
          %dma_wait3A_142 = tpu.memref_slice %arg6[%dma_wait3A_140, %dma_wait3A_141] : memref<256x128xf32, #tpu.memory_space<vmem>> -> memref<128x128xf32, #tpu.memory_space<vmem>>
          %dma_wait3A_143 = arith.constant 0 : i32
          %dma_wait3A_144 = arith.constant 0 : i32
          %dma_wait3A_145 = tpu.memref_slice %arg15[%dma_wait3A_143, %dma_wait3A_144] : memref<128x128xf32, #tpu.memory_space<vmem_shared>> -> memref<128x128xf32, #tpu.memory_space<vmem_shared>>
          tpu.wait_indirect_dma semaphore(%run_scoped3A : memref<!tpu.dma_semaphore, #tpu.memory_space<semaphore_mem>>) src(%dma_wait3A_142 : memref<128x128xf32, #tpu.memory_space<vmem>>) dst(%dma_wait3A_145 : memref<128x128xf32, #tpu.memory_space<vmem_shared>>)
          tpu.yield
        }) : () -> ()
        "tpu.region"() ({
          %run_scoped3A = tpu.sem_alloc : memref<!tpu.dma_semaphore, #tpu.memory_space<semaphore_mem>>
          %dma_start3A = arith.constant 128 : i32
          %dma_start3A_135 = arith.constant 0 : i32
          %dma_start3A_136 = tpu.memref_slice %arg6[%dma_start3A, %dma_start3A_135] : memref<256x128xf32, #tpu.memory_space<vmem>> -> memref<128x128xf32, #tpu.memory_space<vmem>>
          %dma_start3A_137 = arith.constant 0 : i32
          %dma_start3A_138 = arith.constant 0 : i32
          %dma_start3A_139 = tpu.memref_slice %arg15[%dma_start3A_137, %dma_start3A_138] : memref<128x128xf32, #tpu.memory_space<vmem_shared>> -> memref<128x128xf32, #tpu.memory_space<vmem_shared>>
          tpu.enqueue_indirect_dma source(%dma_start3A_136 : memref<128x128xf32, #tpu.memory_space<vmem>>) target(%dma_start3A_139 : memref<128x128xf32, #tpu.memory_space<vmem_shared>>) offsets(%arg9 : memref<128xi32, #tpu.memory_space<vmem>>) semaphore(%run_scoped3A : memref<!tpu.dma_semaphore, #tpu.memory_space<semaphore_mem>>) {add = true}
          %dma_wait3A_140 = arith.constant 128 : i32
          %dma_wait3A_141 = arith.constant 0 : i32
          %dma_wait3A_142 = tpu.memref_slice %arg6[%dma_wait3A_140, %dma_wait3A_141] : memref<256x128xf32, #tpu.memory_space<vmem>> -> memref<128x128xf32, #tpu.memory_space<vmem>>
          %dma_wait3A_143 = arith.constant 0 : i32
          %dma_wait3A_144 = arith.constant 0 : i32
          %dma_wait3A_145 = tpu.memref_slice %arg15[%dma_wait3A_143, %dma_wait3A_144] : memref<128x128xf32, #tpu.memory_space<vmem_shared>> -> memref<128x128xf32, #tpu.memory_space<vmem_shared>>
          tpu.wait_indirect_dma semaphore(%run_scoped3A : memref<!tpu.dma_semaphore, #tpu.memory_space<semaphore_mem>>) src(%dma_wait3A_142 : memref<128x128xf32, #tpu.memory_space<vmem>>) dst(%dma_wait3A_145 : memref<128x128xf32, #tpu.memory_space<vmem_shared>>)
          tpu.yield
        }) : () -> ()
        %get3A = arith.constant 0 : index
        %get3A_104 = tpu.vector_load %arg8[%get3A] {strides = array<i32>} : memref<128xi32, #tpu.memory_space<vmem>>, vector<16xi32>,
        tpu.vector_store_idx %arg13[%get3A_104], %broadcast_in_dim3A_3 {add = true} : memref<128xf32, #tpu.memory_space<vmem>>[vector<16xi32>], vector<16xf32>,
        %get3A_105 = arith.constant 16 : index
        %get3A_106 = tpu.vector_load %arg8[%get3A_105] {strides = array<i32>} : memref<128xi32, #tpu.memory_space<vmem>>, vector<16xi32>,
        tpu.vector_store_idx %arg13[%get3A_106], %broadcast_in_dim3A_3 {add = true} : memref<128xf32, #tpu.memory_space<vmem>>[vector<16xi32>], vector<16xf32>,
        %get3A_107 = arith.constant 32 : index
        %get3A_108 = tpu.vector_load %arg8[%get3A_107] {strides = array<i32>} : memref<128xi32, #tpu.memory_space<vmem>>, vector<16xi32>,
        tpu.vector_store_idx %arg13[%get3A_108], %broadcast_in_dim3A_3 {add = true} : memref<128xf32, #tpu.memory_space<vmem>>[vector<16xi32>], vector<16xf32>,
        %get3A_109 = arith.constant 48 : index
        %get3A_110 = tpu.vector_load %arg8[%get3A_109] {strides = array<i32>} : memref<128xi32, #tpu.memory_space<vmem>>, vector<16xi32>,
        tpu.vector_store_idx %arg13[%get3A_110], %broadcast_in_dim3A_3 {add = true} : memref<128xf32, #tpu.memory_space<vmem>>[vector<16xi32>], vector<16xf32>,
        %get3A_111 = arith.constant 64 : index
        %get3A_112 = tpu.vector_load %arg8[%get3A_111] {strides = array<i32>} : memref<128xi32, #tpu.memory_space<vmem>>, vector<16xi32>,
        tpu.vector_store_idx %arg13[%get3A_112], %broadcast_in_dim3A_3 {add = true} : memref<128xf32, #tpu.memory_space<vmem>>[vector<16xi32>], vector<16xf32>,
        %get3A_113 = arith.constant 80 : index
        %get3A_114 = tpu.vector_load %arg8[%get3A_113] {strides = array<i32>} : memref<128xi32, #tpu.memory_space<vmem>>, vector<16xi32>,
        tpu.vector_store_idx %arg13[%get3A_114], %broadcast_in_dim3A_3 {add = true} : memref<128xf32, #tpu.memory_space<vmem>>[vector<16xi32>], vector<16xf32>,
        %get3A_115 = arith.constant 96 : index
        %get3A_116 = tpu.vector_load %arg8[%get3A_115] {strides = array<i32>} : memref<128xi32, #tpu.memory_space<vmem>>, vector<16xi32>,
        tpu.vector_store_idx %arg13[%get3A_116], %broadcast_in_dim3A_3 {add = true} : memref<128xf32, #tpu.memory_space<vmem>>[vector<16xi32>], vector<16xf32>,
        %get3A_117 = arith.constant 112 : index
        %get3A_118 = tpu.vector_load %arg8[%get3A_117] {strides = array<i32>} : memref<128xi32, #tpu.memory_space<vmem>>, vector<16xi32>,
        tpu.vector_store_idx %arg13[%get3A_118], %broadcast_in_dim3A_3 {add = true} : memref<128xf32, #tpu.memory_space<vmem>>[vector<16xi32>], vector<16xf32>,
        %get3A_119 = arith.constant 0 : index
        %get3A_120 = tpu.vector_load %arg9[%get3A_119] {strides = array<i32>} : memref<128xi32, #tpu.memory_space<vmem>>, vector<16xi32>,
        tpu.vector_store_idx %arg13[%get3A_120], %broadcast_in_dim3A_3 {add = true} : memref<128xf32, #tpu.memory_space<vmem>>[vector<16xi32>], vector<16xf32>,
        %get3A_121 = arith.constant 16 : index
        %get3A_122 = tpu.vector_load %arg9[%get3A_121] {strides = array<i32>} : memref<128xi32, #tpu.memory_space<vmem>>, vector<16xi32>,
        tpu.vector_store_idx %arg13[%get3A_122], %broadcast_in_dim3A_3 {add = true} : memref<128xf32, #tpu.memory_space<vmem>>[vector<16xi32>], vector<16xf32>,
        %get3A_123 = arith.constant 32 : index
        %get3A_124 = tpu.vector_load %arg9[%get3A_123] {strides = array<i32>} : memref<128xi32, #tpu.memory_space<vmem>>, vector<16xi32>,
        tpu.vector_store_idx %arg13[%get3A_124], %broadcast_in_dim3A_3 {add = true} : memref<128xf32, #tpu.memory_space<vmem>>[vector<16xi32>], vector<16xf32>,
        %get3A_125 = arith.constant 48 : index
        %get3A_126 = tpu.vector_load %arg9[%get3A_125] {strides = array<i32>} : memref<128xi32, #tpu.memory_space<vmem>>, vector<16xi32>,
        tpu.vector_store_idx %arg13[%get3A_126], %broadcast_in_dim3A_3 {add = true} : memref<128xf32, #tpu.memory_space<vmem>>[vector<16xi32>], vector<16xf32>,
        %get3A_127 = arith.constant 64 : index
        %get3A_128 = tpu.vector_load %arg9[%get3A_127] {strides = array<i32>} : memref<128xi32, #tpu.memory_space<vmem>>, vector<16xi32>,
        tpu.vector_store_idx %arg13[%get3A_128], %broadcast_in_dim3A_3 {add = true} : memref<128xf32, #tpu.memory_space<vmem>>[vector<16xi32>], vector<16xf32>,
        %get3A_129 = arith.constant 80 : index
        %get3A_130 = tpu.vector_load %arg9[%get3A_129] {strides = array<i32>} : memref<128xi32, #tpu.memory_space<vmem>>, vector<16xi32>,
        tpu.vector_store_idx %arg13[%get3A_130], %broadcast_in_dim3A_3 {add = true} : memref<128xf32, #tpu.memory_space<vmem>>[vector<16xi32>], vector<16xf32>,
        %get3A_131 = arith.constant 96 : index
        %get3A_132 = tpu.vector_load %arg9[%get3A_131] {strides = array<i32>} : memref<128xi32, #tpu.memory_space<vmem>>, vector<16xi32>,
        tpu.vector_store_idx %arg13[%get3A_132], %broadcast_in_dim3A_3 {add = true} : memref<128xf32, #tpu.memory_space<vmem>>[vector<16xi32>], vector<16xf32>,
        %get3A_133 = arith.constant 112 : index
        %get3A_134 = tpu.vector_load %arg9[%get3A_133] {strides = array<i32>} : memref<128xi32, #tpu.memory_space<vmem>>, vector<16xi32>,
        tpu.vector_store_idx %arg13[%get3A_134], %broadcast_in_dim3A_3 {add = true} : memref<128xf32, #tpu.memory_space<vmem>>[vector<16xi32>], vector<16xf32>,
      } else {
      }
      %add3A_61 = arith.constant 2 : i32
      %add3A_62 = arith.addi %add3A_52, %add3A_61 : i32
      %mul3A_63 = arith.constant 32 : i32
      %mul3A_64 = arith.muli %add3A_62, %mul3A_63 : i32
      %add3A_65 = arith.addi %mul3A_64, %add3A : i32
      %lt3A_66 = arith.constant 400 : i32
      %lt3A_67 = arith.cmpi slt, %add3A_65, %lt3A_66 : i32
      %convert_element_type3A_68 = arith.extui %lt3A_67 : i1 to i32
      %cond3A_69 = arith.constant 0 : i32
      %cond3A_70 = arith.cmpi ne, %convert_element_type3A_68, %cond3A_69 : i32
      scf.if %cond3A_70 {
        %mul3A_93 = arith.constant 256 : i32
        %mul3A_94 = arith.muli %add3A_65, %mul3A_93 : i32
        %dma_start3A = arith.constant 0 : i32
        %dma_start3A_95 = tpu.memref_slice %arg2[%mul3A_94, %dma_start3A] : memref<160000x128xf32, #tpu.memory_space<hbm>> -> memref<256x128xf32, #tpu.memory_space<hbm>>
        %dma_start3A_96 = arith.constant 0 : i32
        %dma_start3A_97 = tpu.memref_slice %arg2[%mul3A_94, %dma_start3A_96] : memref<160000x128xf32, #tpu.memory_space<hbm>> -> memref<256x128xf32, #tpu.memory_space<hbm>>
        tpu.enqueue_dma source(%dma_start3A_97 : memref<256x128xf32, #tpu.memory_space<hbm>>) target(%arg6 : memref<256x128xf32, #tpu.memory_space<vmem>>) target_semaphore(%arg17 : memref<!tpu.dma_semaphore, #tpu.memory_space<semaphore_mem>>)
        %dma_start3A_98 = tpu.memref_slice %arg3[%mul3A_94] : memref<160000xi32, #tpu.memory_space<hbm>> -> memref<128xi32, #tpu.memory_space<hbm>>
        %dma_start3A_99 = tpu.memref_slice %arg3[%mul3A_94] : memref<160000xi32, #tpu.memory_space<hbm>> -> memref<128xi32, #tpu.memory_space<hbm>>
        tpu.enqueue_dma source(%dma_start3A_99 : memref<128xi32, #tpu.memory_space<hbm>>) target(%arg8 : memref<128xi32, #tpu.memory_space<vmem>>) target_semaphore(%arg17 : memref<!tpu.dma_semaphore, #tpu.memory_space<semaphore_mem>>)
        %add3A_100 = arith.constant 128 : i32
        %add3A_101 = arith.addi %mul3A_94, %add3A_100 : i32
        %dma_start3A_102 = tpu.memref_slice %arg3[%add3A_101] : memref<160000xi32, #tpu.memory_space<hbm>> -> memref<128xi32, #tpu.memory_space<hbm>>
        %dma_start3A_103 = tpu.memref_slice %arg3[%add3A_101] : memref<160000xi32, #tpu.memory_space<hbm>> -> memref<128xi32, #tpu.memory_space<hbm>>
        tpu.enqueue_dma source(%dma_start3A_103 : memref<128xi32, #tpu.memory_space<hbm>>) target(%arg9 : memref<128xi32, #tpu.memory_space<vmem>>) target_semaphore(%arg17 : memref<!tpu.dma_semaphore, #tpu.memory_space<semaphore_mem>>)
      } else {
      }
      %mul3A_71 = arith.constant 2 : i32
      %mul3A_72 = arith.muli %scan3A_48, %mul3A_71 : i32
      %add3A_73 = arith.constant 1 : i32
      %add3A_74 = arith.addi %mul3A_72, %add3A_73 : i32
      %mul3A_75 = arith.constant 32 : i32
      %mul3A_76 = arith.muli %add3A_74, %mul3A_75 : i32
      %add3A_77 = arith.addi %mul3A_76, %add3A : i32
      %lt3A_78 = arith.constant 400 : i32
      %lt3A_79 = arith.cmpi slt, %add3A_77, %lt3A_78 : i32
      %convert_element_type3A_80 = arith.extui %lt3A_79 : i1 to i32
      %cond3A_81 = arith.constant 0 : i32
      %cond3A_82 = arith.cmpi ne, %convert_element_type3A_80, %cond3A_81 : i32
      scf.if %cond3A_82 {
        %mul3A_93 = arith.constant 256 : i32
        %mul3A_94 = arith.muli %add3A_77, %mul3A_93 : i32
        %dma_wait3A = arith.constant 0 : i32
        %dma_wait3A_95 = tpu.memref_slice %arg2[%mul3A_94, %dma_wait3A] : memref<160000x128xf32, #tpu.memory_space<hbm>> -> memref<256x128xf32, #tpu.memory_space<hbm>>
        %dma_wait3A_96 = arith.constant 0 : i32
        %dma_wait3A_97 = tpu.memref_slice %arg2[%mul3A_94, %dma_wait3A_96] : memref<160000x128xf32, #tpu.memory_space<hbm>> -> memref<256x128xf32, #tpu.memory_space<hbm>>
        tpu.wait_dma2 semaphore(%arg18 : memref<!tpu.dma_semaphore, #tpu.memory_space<semaphore_mem>>) src(%dma_wait3A_97 : memref<256x128xf32, #tpu.memory_space<hbm>>) dst(%arg7 : memref<256x128xf32, #tpu.memory_space<vmem>>)
        %dma_wait3A_98 = tpu.memref_slice %arg3[%mul3A_94] : memref<160000xi32, #tpu.memory_space<hbm>> -> memref<128xi32, #tpu.memory_space<hbm>>
        %dma_wait3A_99 = tpu.memref_slice %arg3[%mul3A_94] : memref<160000xi32, #tpu.memory_space<hbm>> -> memref<128xi32, #tpu.memory_space<hbm>>
        tpu.wait_dma2 semaphore(%arg18 : memref<!tpu.dma_semaphore, #tpu.memory_space<semaphore_mem>>) src(%dma_wait3A_99 : memref<128xi32, #tpu.memory_space<hbm>>) dst(%arg10 : memref<128xi32, #tpu.memory_space<vmem>>)
        %add3A_100 = arith.constant 128 : i32
        %add3A_101 = arith.addi %mul3A_94, %add3A_100 : i32
        %dma_wait3A_102 = tpu.memref_slice %arg3[%add3A_101] : memref<160000xi32, #tpu.memory_space<hbm>> -> memref<128xi32, #tpu.memory_space<hbm>>
        %dma_wait3A_103 = tpu.memref_slice %arg3[%add3A_101] : memref<160000xi32, #tpu.memory_space<hbm>> -> memref<128xi32, #tpu.memory_space<hbm>>
        tpu.wait_dma2 semaphore(%arg18 : memref<!tpu.dma_semaphore, #tpu.memory_space<semaphore_mem>>) src(%dma_wait3A_103 : memref<128xi32, #tpu.memory_space<hbm>>) dst(%arg11 : memref<128xi32, #tpu.memory_space<vmem>>)
        "tpu.region"() ({
          %run_scoped3A = tpu.sem_alloc : memref<!tpu.dma_semaphore, #tpu.memory_space<semaphore_mem>>
          %dma_start3A = arith.constant 0 : i32
          %dma_start3A_135 = arith.constant 0 : i32
          %dma_start3A_136 = tpu.memref_slice %arg7[%dma_start3A, %dma_start3A_135] : memref<256x128xf32, #tpu.memory_space<vmem>> -> memref<128x128xf32, #tpu.memory_space<vmem>>
          %dma_start3A_137 = arith.constant 0 : i32
          %dma_start3A_138 = arith.constant 0 : i32
          %dma_start3A_139 = tpu.memref_slice %arg15[%dma_start3A_137, %dma_start3A_138] : memref<128x128xf32, #tpu.memory_space<vmem_shared>> -> memref<128x128xf32, #tpu.memory_space<vmem_shared>>
          tpu.enqueue_indirect_dma source(%dma_start3A_136 : memref<128x128xf32, #tpu.memory_space<vmem>>) target(%dma_start3A_139 : memref<128x128xf32, #tpu.memory_space<vmem_shared>>) offsets(%arg10 : memref<128xi32, #tpu.memory_space<vmem>>) semaphore(%run_scoped3A : memref<!tpu.dma_semaphore, #tpu.memory_space<semaphore_mem>>) {add = true}
          %dma_wait3A_140 = arith.constant 0 : i32
          %dma_wait3A_141 = arith.constant 0 : i32
          %dma_wait3A_142 = tpu.memref_slice %arg7[%dma_wait3A_140, %dma_wait3A_141] : memref<256x128xf32, #tpu.memory_space<vmem>> -> memref<128x128xf32, #tpu.memory_space<vmem>>
          %dma_wait3A_143 = arith.constant 0 : i32
          %dma_wait3A_144 = arith.constant 0 : i32
          %dma_wait3A_145 = tpu.memref_slice %arg15[%dma_wait3A_143, %dma_wait3A_144] : memref<128x128xf32, #tpu.memory_space<vmem_shared>> -> memref<128x128xf32, #tpu.memory_space<vmem_shared>>
          tpu.wait_indirect_dma semaphore(%run_scoped3A : memref<!tpu.dma_semaphore, #tpu.memory_space<semaphore_mem>>) src(%dma_wait3A_142 : memref<128x128xf32, #tpu.memory_space<vmem>>) dst(%dma_wait3A_145 : memref<128x128xf32, #tpu.memory_space<vmem_shared>>)
          tpu.yield
        }) : () -> ()
        "tpu.region"() ({
          %run_scoped3A = tpu.sem_alloc : memref<!tpu.dma_semaphore, #tpu.memory_space<semaphore_mem>>
          %dma_start3A = arith.constant 128 : i32
          %dma_start3A_135 = arith.constant 0 : i32
          %dma_start3A_136 = tpu.memref_slice %arg7[%dma_start3A, %dma_start3A_135] : memref<256x128xf32, #tpu.memory_space<vmem>> -> memref<128x128xf32, #tpu.memory_space<vmem>>
          %dma_start3A_137 = arith.constant 0 : i32
          %dma_start3A_138 = arith.constant 0 : i32
          %dma_start3A_139 = tpu.memref_slice %arg15[%dma_start3A_137, %dma_start3A_138] : memref<128x128xf32, #tpu.memory_space<vmem_shared>> -> memref<128x128xf32, #tpu.memory_space<vmem_shared>>
          tpu.enqueue_indirect_dma source(%dma_start3A_136 : memref<128x128xf32, #tpu.memory_space<vmem>>) target(%dma_start3A_139 : memref<128x128xf32, #tpu.memory_space<vmem_shared>>) offsets(%arg11 : memref<128xi32, #tpu.memory_space<vmem>>) semaphore(%run_scoped3A : memref<!tpu.dma_semaphore, #tpu.memory_space<semaphore_mem>>) {add = true}
          %dma_wait3A_140 = arith.constant 128 : i32
          %dma_wait3A_141 = arith.constant 0 : i32
          %dma_wait3A_142 = tpu.memref_slice %arg7[%dma_wait3A_140, %dma_wait3A_141] : memref<256x128xf32, #tpu.memory_space<vmem>> -> memref<128x128xf32, #tpu.memory_space<vmem>>
          %dma_wait3A_143 = arith.constant 0 : i32
          %dma_wait3A_144 = arith.constant 0 : i32
          %dma_wait3A_145 = tpu.memref_slice %arg15[%dma_wait3A_143, %dma_wait3A_144] : memref<128x128xf32, #tpu.memory_space<vmem_shared>> -> memref<128x128xf32, #tpu.memory_space<vmem_shared>>
          tpu.wait_indirect_dma semaphore(%run_scoped3A : memref<!tpu.dma_semaphore, #tpu.memory_space<semaphore_mem>>) src(%dma_wait3A_142 : memref<128x128xf32, #tpu.memory_space<vmem>>) dst(%dma_wait3A_145 : memref<128x128xf32, #tpu.memory_space<vmem_shared>>)
          tpu.yield
        }) : () -> ()
        %get3A = arith.constant 0 : index
        %get3A_104 = tpu.vector_load %arg10[%get3A] {strides = array<i32>} : memref<128xi32, #tpu.memory_space<vmem>>, vector<16xi32>,
        tpu.vector_store_idx %arg13[%get3A_104], %broadcast_in_dim3A_3 {add = true} : memref<128xf32, #tpu.memory_space<vmem>>[vector<16xi32>], vector<16xf32>,
        %get3A_105 = arith.constant 16 : index
        %get3A_106 = tpu.vector_load %arg10[%get3A_105] {strides = array<i32>} : memref<128xi32, #tpu.memory_space<vmem>>, vector<16xi32>,
        tpu.vector_store_idx %arg13[%get3A_106], %broadcast_in_dim3A_3 {add = true} : memref<128xf32, #tpu.memory_space<vmem>>[vector<16xi32>], vector<16xf32>,
        %get3A_107 = arith.constant 32 : index
        %get3A_108 = tpu.vector_load %arg10[%get3A_107] {strides = array<i32>} : memref<128xi32, #tpu.memory_space<vmem>>, vector<16xi32>,
        tpu.vector_store_idx %arg13[%get3A_108], %broadcast_in_dim3A_3 {add = true} : memref<128xf32, #tpu.memory_space<vmem>>[vector<16xi32>], vector<16xf32>,
        %get3A_109 = arith.constant 48 : index
        %get3A_110 = tpu.vector_load %arg10[%get3A_109] {strides = array<i32>} : memref<128xi32, #tpu.memory_space<vmem>>, vector<16xi32>,
        tpu.vector_store_idx %arg13[%get3A_110], %broadcast_in_dim3A_3 {add = true} : memref<128xf32, #tpu.memory_space<vmem>>[vector<16xi32>], vector<16xf32>,
        %get3A_111 = arith.constant 64 : index
        %get3A_112 = tpu.vector_load %arg10[%get3A_111] {strides = array<i32>} : memref<128xi32, #tpu.memory_space<vmem>>, vector<16xi32>,
        tpu.vector_store_idx %arg13[%get3A_112], %broadcast_in_dim3A_3 {add = true} : memref<128xf32, #tpu.memory_space<vmem>>[vector<16xi32>], vector<16xf32>,
        %get3A_113 = arith.constant 80 : index
        %get3A_114 = tpu.vector_load %arg10[%get3A_113] {strides = array<i32>} : memref<128xi32, #tpu.memory_space<vmem>>, vector<16xi32>,
        tpu.vector_store_idx %arg13[%get3A_114], %broadcast_in_dim3A_3 {add = true} : memref<128xf32, #tpu.memory_space<vmem>>[vector<16xi32>], vector<16xf32>,
        %get3A_115 = arith.constant 96 : index
        %get3A_116 = tpu.vector_load %arg10[%get3A_115] {strides = array<i32>} : memref<128xi32, #tpu.memory_space<vmem>>, vector<16xi32>,
        tpu.vector_store_idx %arg13[%get3A_116], %broadcast_in_dim3A_3 {add = true} : memref<128xf32, #tpu.memory_space<vmem>>[vector<16xi32>], vector<16xf32>,
        %get3A_117 = arith.constant 112 : index
        %get3A_118 = tpu.vector_load %arg10[%get3A_117] {strides = array<i32>} : memref<128xi32, #tpu.memory_space<vmem>>, vector<16xi32>,
        tpu.vector_store_idx %arg13[%get3A_118], %broadcast_in_dim3A_3 {add = true} : memref<128xf32, #tpu.memory_space<vmem>>[vector<16xi32>], vector<16xf32>,
        %get3A_119 = arith.constant 0 : index
        %get3A_120 = tpu.vector_load %arg11[%get3A_119] {strides = array<i32>} : memref<128xi32, #tpu.memory_space<vmem>>, vector<16xi32>,
        tpu.vector_store_idx %arg13[%get3A_120], %broadcast_in_dim3A_3 {add = true} : memref<128xf32, #tpu.memory_space<vmem>>[vector<16xi32>], vector<16xf32>,
        %get3A_121 = arith.constant 16 : index
        %get3A_122 = tpu.vector_load %arg11[%get3A_121] {strides = array<i32>} : memref<128xi32, #tpu.memory_space<vmem>>, vector<16xi32>,
        tpu.vector_store_idx %arg13[%get3A_122], %broadcast_in_dim3A_3 {add = true} : memref<128xf32, #tpu.memory_space<vmem>>[vector<16xi32>], vector<16xf32>,
        %get3A_123 = arith.constant 32 : index
        %get3A_124 = tpu.vector_load %arg11[%get3A_123] {strides = array<i32>} : memref<128xi32, #tpu.memory_space<vmem>>, vector<16xi32>,
        tpu.vector_store_idx %arg13[%get3A_124], %broadcast_in_dim3A_3 {add = true} : memref<128xf32, #tpu.memory_space<vmem>>[vector<16xi32>], vector<16xf32>,
        %get3A_125 = arith.constant 48 : index
        %get3A_126 = tpu.vector_load %arg11[%get3A_125] {strides = array<i32>} : memref<128xi32, #tpu.memory_space<vmem>>, vector<16xi32>,
        tpu.vector_store_idx %arg13[%get3A_126], %broadcast_in_dim3A_3 {add = true} : memref<128xf32, #tpu.memory_space<vmem>>[vector<16xi32>], vector<16xf32>,
        %get3A_127 = arith.constant 64 : index
        %get3A_128 = tpu.vector_load %arg11[%get3A_127] {strides = array<i32>} : memref<128xi32, #tpu.memory_space<vmem>>, vector<16xi32>,
        tpu.vector_store_idx %arg13[%get3A_128], %broadcast_in_dim3A_3 {add = true} : memref<128xf32, #tpu.memory_space<vmem>>[vector<16xi32>], vector<16xf32>,
        %get3A_129 = arith.constant 80 : index
        %get3A_130 = tpu.vector_load %arg11[%get3A_129] {strides = array<i32>} : memref<128xi32, #tpu.memory_space<vmem>>, vector<16xi32>,
        tpu.vector_store_idx %arg13[%get3A_130], %broadcast_in_dim3A_3 {add = true} : memref<128xf32, #tpu.memory_space<vmem>>[vector<16xi32>], vector<16xf32>,
        %get3A_131 = arith.constant 96 : index
        %get3A_132 = tpu.vector_load %arg11[%get3A_131] {strides = array<i32>} : memref<128xi32, #tpu.memory_space<vmem>>, vector<16xi32>,
        tpu.vector_store_idx %arg13[%get3A_132], %broadcast_in_dim3A_3 {add = true} : memref<128xf32, #tpu.memory_space<vmem>>[vector<16xi32>], vector<16xf32>,
        %get3A_133 = arith.constant 112 : index
        %get3A_134 = tpu.vector_load %arg11[%get3A_133] {strides = array<i32>} : memref<128xi32, #tpu.memory_space<vmem>>, vector<16xi32>,
        tpu.vector_store_idx %arg13[%get3A_134], %broadcast_in_dim3A_3 {add = true} : memref<128xf32, #tpu.memory_space<vmem>>[vector<16xi32>], vector<16xf32>,
      } else {
      }
      %add3A_83 = arith.constant 2 : i32
      %add3A_84 = arith.addi %add3A_74, %add3A_83 : i32
      %mul3A_85 = arith.constant 32 : i32
      %mul3A_86 = arith.muli %add3A_84, %mul3A_85 : i32
      %add3A_87 = arith.addi %mul3A_86, %add3A : i32
      %lt3A_88 = arith.constant 400 : i32
      %lt3A_89 = arith.cmpi slt, %add3A_87, %lt3A_88 : i32
      %convert_element_type3A_90 = arith.extui %lt3A_89 : i1 to i32
      %cond3A_91 = arith.constant 0 : i32
      %cond3A_92 = arith.cmpi ne, %convert_element_type3A_90, %cond3A_91 : i32
      scf.if %cond3A_92 {
        %mul3A_93 = arith.constant 256 : i32
        %mul3A_94 = arith.muli %add3A_87, %mul3A_93 : i32
        %dma_start3A = arith.constant 0 : i32
        %dma_start3A_95 = tpu.memref_slice %arg2[%mul3A_94, %dma_start3A] : memref<160000x128xf32, #tpu.memory_space<hbm>> -> memref<256x128xf32, #tpu.memory_space<hbm>>
        %dma_start3A_96 = arith.constant 0 : i32
        %dma_start3A_97 = tpu.memref_slice %arg2[%mul3A_94, %dma_start3A_96] : memref<160000x128xf32, #tpu.memory_space<hbm>> -> memref<256x128xf32, #tpu.memory_space<hbm>>
        tpu.enqueue_dma source(%dma_start3A_97 : memref<256x128xf32, #tpu.memory_space<hbm>>) target(%arg7 : memref<256x128xf32, #tpu.memory_space<vmem>>) target_semaphore(%arg18 : memref<!tpu.dma_semaphore, #tpu.memory_space<semaphore_mem>>)
        %dma_start3A_98 = tpu.memref_slice %arg3[%mul3A_94] : memref<160000xi32, #tpu.memory_space<hbm>> -> memref<128xi32, #tpu.memory_space<hbm>>
        %dma_start3A_99 = tpu.memref_slice %arg3[%mul3A_94] : memref<160000xi32, #tpu.memory_space<hbm>> -> memref<128xi32, #tpu.memory_space<hbm>>
        tpu.enqueue_dma source(%dma_start3A_99 : memref<128xi32, #tpu.memory_space<hbm>>) target(%arg10 : memref<128xi32, #tpu.memory_space<vmem>>) target_semaphore(%arg18 : memref<!tpu.dma_semaphore, #tpu.memory_space<semaphore_mem>>)
        %add3A_100 = arith.constant 128 : i32
        %add3A_101 = arith.addi %mul3A_94, %add3A_100 : i32
        %dma_start3A_102 = tpu.memref_slice %arg3[%add3A_101] : memref<160000xi32, #tpu.memory_space<hbm>> -> memref<128xi32, #tpu.memory_space<hbm>>
        %dma_start3A_103 = tpu.memref_slice %arg3[%add3A_101] : memref<160000xi32, #tpu.memory_space<hbm>> -> memref<128xi32, #tpu.memory_space<hbm>>
        tpu.enqueue_dma source(%dma_start3A_103 : memref<128xi32, #tpu.memory_space<hbm>>) target(%arg11 : memref<128xi32, #tpu.memory_space<vmem>>) target_semaphore(%arg18 : memref<!tpu.dma_semaphore, #tpu.memory_space<semaphore_mem>>)
      } else {
      }
    }
    %scan3A_42 = arith.constant 7 : i32
    "tpu.region"() ({
      %run_scoped3A = tpu.sem_alloc : memref<!tpu.dma_semaphore, #tpu.memory_space<semaphore_mem>>
      %dma_start3A = arith.constant 0 : i32
      %dma_start3A_48 = tpu.memref_slice %arg16[%arg1, %dma_start3A] : memref<16x128xf32, #tpu.memory_space<vmem_shared>> -> memref<1x128xf32, #tpu.memory_space<vmem_shared>>
      %dma_start3A_49 = tpu.memref_squeeze %dma_start3A_48 : memref<1x128xf32, #tpu.memory_space<vmem_shared>> -> memref<128xf32, #tpu.memory_space<vmem_shared>>
      %dma_start3A_50 = arith.constant 0 : i32
      %dma_start3A_51 = tpu.memref_slice %arg16[%arg1, %dma_start3A_50] : memref<16x128xf32, #tpu.memory_space<vmem_shared>> -> memref<1x128xf32, #tpu.memory_space<vmem_shared>>
      %dma_start3A_52 = tpu.memref_squeeze %dma_start3A_51 : memref<1x128xf32, #tpu.memory_space<vmem_shared>> -> memref<128xf32, #tpu.memory_space<vmem_shared>>
      tpu.enqueue_dma source(%arg13 : memref<128xf32, #tpu.memory_space<vmem>>) target(%dma_start3A_52 : memref<128xf32, #tpu.memory_space<vmem_shared>>) target_semaphore(%run_scoped3A : memref<!tpu.dma_semaphore, #tpu.memory_space<semaphore_mem>>)
      %dma_wait3A = arith.constant 0 : i32
      %dma_wait3A_53 = tpu.memref_slice %arg16[%arg1, %dma_wait3A] : memref<16x128xf32, #tpu.memory_space<vmem_shared>> -> memref<1x128xf32, #tpu.memory_space<vmem_shared>>
      %dma_wait3A_54 = tpu.memref_squeeze %dma_wait3A_53 : memref<1x128xf32, #tpu.memory_space<vmem_shared>> -> memref<128xf32, #tpu.memory_space<vmem_shared>>
      %dma_wait3A_55 = arith.constant 0 : i32
      %dma_wait3A_56 = tpu.memref_slice %arg16[%arg1, %dma_wait3A_55] : memref<16x128xf32, #tpu.memory_space<vmem_shared>> -> memref<1x128xf32, #tpu.memory_space<vmem_shared>>
      %dma_wait3A_57 = tpu.memref_squeeze %dma_wait3A_56 : memref<1x128xf32, #tpu.memory_space<vmem_shared>> -> memref<128xf32, #tpu.memory_space<vmem_shared>>
      tpu.wait_dma2 semaphore(%run_scoped3A : memref<!tpu.dma_semaphore, #tpu.memory_space<semaphore_mem>>) src(%arg13 : memref<128xf32, #tpu.memory_space<vmem>>) dst(%dma_wait3A_57 : memref<128xf32, #tpu.memory_space<vmem_shared>>)
      tpu.yield
    }) : () -> ()
    %barrier3A_43 = arith.constant 0 : index
    tpu.barrier barrier_id(%barrier3A_43)
    %eq3A = arith.constant 0 : i32
    %eq3A_44 = arith.cmpi eq, %arg1, %eq3A : i32
    %convert_element_type3A_45 = arith.extui %eq3A_44 : i1 to i32
    %cond3A_46 = arith.constant 0 : i32
    %cond3A_47 = arith.cmpi ne, %convert_element_type3A_45, %cond3A_46 : i32
    scf.if %cond3A_47 {
      "tpu.region"() ({
        %run_scoped3A = tpu.sem_alloc : memref<!tpu.dma_semaphore, #tpu.memory_space<semaphore_mem>>
        %dma_start3A = arith.constant 0 : i32
        %dma_start3A_695 = arith.constant 0 : i32
        %dma_start3A_696 = tpu.memref_slice %arg4[%arg0, %dma_start3A, %dma_start3A_695] : memref<2x128x128xf32, #tpu.memory_space<hbm>> -> memref<1x128x128xf32, #tpu.memory_space<hbm>>
        %dma_start3A_697 = tpu.memref_squeeze %dma_start3A_696 : memref<1x128x128xf32, #tpu.memory_space<hbm>> -> memref<128x128xf32, #tpu.memory_space<hbm>>
        tpu.enqueue_dma source(%arg15 : memref<128x128xf32, #tpu.memory_space<vmem_shared>>) target(%dma_start3A_697 : memref<128x128xf32, #tpu.memory_space<hbm>>) target_semaphore(%run_scoped3A : memref<!tpu.dma_semaphore, #tpu.memory_space<semaphore_mem>>)
        %dma_wait3A = arith.constant 0 : i32
        %dma_wait3A_698 = arith.constant 0 : i32
        %dma_wait3A_699 = tpu.memref_slice %arg4[%arg0, %dma_wait3A, %dma_wait3A_698] : memref<2x128x128xf32, #tpu.memory_space<hbm>> -> memref<1x128x128xf32, #tpu.memory_space<hbm>>
        %dma_wait3A_700 = tpu.memref_squeeze %dma_wait3A_699 : memref<1x128x128xf32, #tpu.memory_space<hbm>> -> memref<128x128xf32, #tpu.memory_space<hbm>>
        tpu.wait_dma2 semaphore(%run_scoped3A : memref<!tpu.dma_semaphore, #tpu.memory_space<semaphore_mem>>) src(%arg15 : memref<128x128xf32, #tpu.memory_space<vmem_shared>>) dst(%dma_wait3A_700 : memref<128x128xf32, #tpu.memory_space<hbm>>)
        tpu.yield
      }) : () -> ()
      "tpu.region"() ({
        %run_scoped3A = tpu.sem_alloc : memref<!tpu.dma_semaphore, #tpu.memory_space<semaphore_mem>>
        tpu.enqueue_dma source(%arg16 : memref<16x128xf32, #tpu.memory_space<vmem_shared>>) target(%arg14 : memref<16x128xf32, #tpu.memory_space<vmem>>) target_semaphore(%run_scoped3A : memref<!tpu.dma_semaphore, #tpu.memory_space<semaphore_mem>>)
        tpu.wait_dma2 semaphore(%run_scoped3A : memref<!tpu.dma_semaphore, #tpu.memory_space<semaphore_mem>>) src(%arg16 : memref<16x128xf32, #tpu.memory_space<vmem_shared>>) dst(%arg14 : memref<16x128xf32, #tpu.memory_space<vmem>>)
        tpu.yield
      }) : () -> ()
      %get3A = arith.constant 0 : i32
      %get3A_48 = arith.index_cast %get3A : i32 to index
      %get3A_49 = arith.constant 0 : index
      %get3A_50 = tpu.vector_load %arg14[%get3A_48, %get3A_49] {strides = array<i32>} : memref<16x128xf32, #tpu.memory_space<vmem>>, vector<16xf32>,
      %get3A_51 = arith.constant 1 : i32
      %get3A_52 = arith.index_cast %get3A_51 : i32 to index
      %get3A_53 = arith.constant 0 : index
      %get3A_54 = tpu.vector_load %arg14[%get3A_52, %get3A_53] {strides = array<i32>} : memref<16x128xf32, #tpu.memory_space<vmem>>, vector<16xf32>,
      %add3A_55 = arith.addf %get3A_50, %get3A_54 : vector<16xf32>
      %get3A_56 = arith.constant 2 : i32
      %get3A_57 = arith.index_cast %get3A_56 : i32 to index
      %get3A_58 = arith.constant 0 : index
      %get3A_59 = tpu.vector_load %arg14[%get3A_57, %get3A_58] {strides = array<i32>} : memref<16x128xf32, #tpu.memory_space<vmem>>, vector<16xf32>,
      %add3A_60 = arith.addf %add3A_55, %get3A_59 : vector<16xf32>
      %get3A_61 = arith.constant 3 : i32
      %get3A_62 = arith.index_cast %get3A_61 : i32 to index
      %get3A_63 = arith.constant 0 : index
      %get3A_64 = tpu.vector_load %arg14[%get3A_62, %get3A_63] {strides = array<i32>} : memref<16x128xf32, #tpu.memory_space<vmem>>, vector<16xf32>,
      %add3A_65 = arith.addf %add3A_60, %get3A_64 : vector<16xf32>
      %get3A_66 = arith.constant 4 : i32
      %get3A_67 = arith.index_cast %get3A_66 : i32 to index
      %get3A_68 = arith.constant 0 : index
      %get3A_69 = tpu.vector_load %arg14[%get3A_67, %get3A_68] {strides = array<i32>} : memref<16x128xf32, #tpu.memory_space<vmem>>, vector<16xf32>,
      %add3A_70 = arith.addf %add3A_65, %get3A_69 : vector<16xf32>
      %get3A_71 = arith.constant 5 : i32
      %get3A_72 = arith.index_cast %get3A_71 : i32 to index
      %get3A_73 = arith.constant 0 : index
      %get3A_74 = tpu.vector_load %arg14[%get3A_72, %get3A_73] {strides = array<i32>} : memref<16x128xf32, #tpu.memory_space<vmem>>, vector<16xf32>,
      %add3A_75 = arith.addf %add3A_70, %get3A_74 : vector<16xf32>
      %get3A_76 = arith.constant 6 : i32
      %get3A_77 = arith.index_cast %get3A_76 : i32 to index
      %get3A_78 = arith.constant 0 : index
      %get3A_79 = tpu.vector_load %arg14[%get3A_77, %get3A_78] {strides = array<i32>} : memref<16x128xf32, #tpu.memory_space<vmem>>, vector<16xf32>,
      %add3A_80 = arith.addf %add3A_75, %get3A_79 : vector<16xf32>
      %get3A_81 = arith.constant 7 : i32
      %get3A_82 = arith.index_cast %get3A_81 : i32 to index
      %get3A_83 = arith.constant 0 : index
      %get3A_84 = tpu.vector_load %arg14[%get3A_82, %get3A_83] {strides = array<i32>} : memref<16x128xf32, #tpu.memory_space<vmem>>, vector<16xf32>,
      %add3A_85 = arith.addf %add3A_80, %get3A_84 : vector<16xf32>
      %get3A_86 = arith.constant 8 : i32
      %get3A_87 = arith.index_cast %get3A_86 : i32 to index
      %get3A_88 = arith.constant 0 : index
      %get3A_89 = tpu.vector_load %arg14[%get3A_87, %get3A_88] {strides = array<i32>} : memref<16x128xf32, #tpu.memory_space<vmem>>, vector<16xf32>,
      %add3A_90 = arith.addf %add3A_85, %get3A_89 : vector<16xf32>
      %get3A_91 = arith.constant 9 : i32
      %get3A_92 = arith.index_cast %get3A_91 : i32 to index
      %get3A_93 = arith.constant 0 : index
      %get3A_94 = tpu.vector_load %arg14[%get3A_92, %get3A_93] {strides = array<i32>} : memref<16x128xf32, #tpu.memory_space<vmem>>, vector<16xf32>,
      %add3A_95 = arith.addf %add3A_90, %get3A_94 : vector<16xf32>
      %get3A_96 = arith.constant 10 : i32
      %get3A_97 = arith.index_cast %get3A_96 : i32 to index
      %get3A_98 = arith.constant 0 : index
      %get3A_99 = tpu.vector_load %arg14[%get3A_97, %get3A_98] {strides = array<i32>} : memref<16x128xf32, #tpu.memory_space<vmem>>, vector<16xf32>,
      %add3A_100 = arith.addf %add3A_95, %get3A_99 : vector<16xf32>
      %get3A_101 = arith.constant 11 : i32
      %get3A_102 = arith.index_cast %get3A_101 : i32 to index
      %get3A_103 = arith.constant 0 : index
      %get3A_104 = tpu.vector_load %arg14[%get3A_102, %get3A_103] {strides = array<i32>} : memref<16x128xf32, #tpu.memory_space<vmem>>, vector<16xf32>,
      %add3A_105 = arith.addf %add3A_100, %get3A_104 : vector<16xf32>
      %get3A_106 = arith.constant 12 : i32
      %get3A_107 = arith.index_cast %get3A_106 : i32 to index
      %get3A_108 = arith.constant 0 : index
      %get3A_109 = tpu.vector_load %arg14[%get3A_107, %get3A_108] {strides = array<i32>} : memref<16x128xf32, #tpu.memory_space<vmem>>, vector<16xf32>,
      %add3A_110 = arith.addf %add3A_105, %get3A_109 : vector<16xf32>
      %get3A_111 = arith.constant 13 : i32
      %get3A_112 = arith.index_cast %get3A_111 : i32 to index
      %get3A_113 = arith.constant 0 : index
      %get3A_114 = tpu.vector_load %arg14[%get3A_112, %get3A_113] {strides = array<i32>} : memref<16x128xf32, #tpu.memory_space<vmem>>, vector<16xf32>,
      %add3A_115 = arith.addf %add3A_110, %get3A_114 : vector<16xf32>
      %get3A_116 = arith.constant 14 : i32
      %get3A_117 = arith.index_cast %get3A_116 : i32 to index
      %get3A_118 = arith.constant 0 : index
      %get3A_119 = tpu.vector_load %arg14[%get3A_117, %get3A_118] {strides = array<i32>} : memref<16x128xf32, #tpu.memory_space<vmem>>, vector<16xf32>,
      %add3A_120 = arith.addf %add3A_115, %get3A_119 : vector<16xf32>
      %get3A_121 = arith.constant 15 : i32
      %get3A_122 = arith.index_cast %get3A_121 : i32 to index
      %get3A_123 = arith.constant 0 : index
      %get3A_124 = tpu.vector_load %arg14[%get3A_122, %get3A_123] {strides = array<i32>} : memref<16x128xf32, #tpu.memory_space<vmem>>, vector<16xf32>,
      %add3A_125 = arith.addf %add3A_120, %get3A_124 : vector<16xf32>
      %swap3A_126 = arith.constant 0 : index
      %swap3A_127 = tpu.vector_load %arg13[%swap3A_126] {strides = array<i32>} : memref<128xf32, #tpu.memory_space<vmem>>, vector<16xf32>,
      tpu.vector_store %arg13[%swap3A_126], %add3A_125 {strides = array<i32>} : memref<128xf32, #tpu.memory_space<vmem>>, vector<16xf32>,
      %get3A_128 = arith.constant 0 : i32
      %get3A_129 = arith.index_cast %get3A_128 : i32 to index
      %get3A_130 = arith.constant 16 : index
      %get3A_131 = tpu.vector_load %arg14[%get3A_129, %get3A_130] {strides = array<i32>} : memref<16x128xf32, #tpu.memory_space<vmem>>, vector<16xf32>,
      %get3A_132 = arith.constant 1 : i32
      %get3A_133 = arith.index_cast %get3A_132 : i32 to index
      %get3A_134 = arith.constant 16 : index
      %get3A_135 = tpu.vector_load %arg14[%get3A_133, %get3A_134] {strides = array<i32>} : memref<16x128xf32, #tpu.memory_space<vmem>>, vector<16xf32>,
      %add3A_136 = arith.addf %get3A_131, %get3A_135 : vector<16xf32>
      %get3A_137 = arith.constant 2 : i32
      %get3A_138 = arith.index_cast %get3A_137 : i32 to index
      %get3A_139 = arith.constant 16 : index
      %get3A_140 = tpu.vector_load %arg14[%get3A_138, %get3A_139] {strides = array<i32>} : memref<16x128xf32, #tpu.memory_space<vmem>>, vector<16xf32>,
      %add3A_141 = arith.addf %add3A_136, %get3A_140 : vector<16xf32>
      %get3A_142 = arith.constant 3 : i32
      %get3A_143 = arith.index_cast %get3A_142 : i32 to index
      %get3A_144 = arith.constant 16 : index
      %get3A_145 = tpu.vector_load %arg14[%get3A_143, %get3A_144] {strides = array<i32>} : memref<16x128xf32, #tpu.memory_space<vmem>>, vector<16xf32>,
      %add3A_146 = arith.addf %add3A_141, %get3A_145 : vector<16xf32>
      %get3A_147 = arith.constant 4 : i32
      %get3A_148 = arith.index_cast %get3A_147 : i32 to index
      %get3A_149 = arith.constant 16 : index
      %get3A_150 = tpu.vector_load %arg14[%get3A_148, %get3A_149] {strides = array<i32>} : memref<16x128xf32, #tpu.memory_space<vmem>>, vector<16xf32>,
      %add3A_151 = arith.addf %add3A_146, %get3A_150 : vector<16xf32>
      %get3A_152 = arith.constant 5 : i32
      %get3A_153 = arith.index_cast %get3A_152 : i32 to index
      %get3A_154 = arith.constant 16 : index
      %get3A_155 = tpu.vector_load %arg14[%get3A_153, %get3A_154] {strides = array<i32>} : memref<16x128xf32, #tpu.memory_space<vmem>>, vector<16xf32>,
      %add3A_156 = arith.addf %add3A_151, %get3A_155 : vector<16xf32>
      %get3A_157 = arith.constant 6 : i32
      %get3A_158 = arith.index_cast %get3A_157 : i32 to index
      %get3A_159 = arith.constant 16 : index
      %get3A_160 = tpu.vector_load %arg14[%get3A_158, %get3A_159] {strides = array<i32>} : memref<16x128xf32, #tpu.memory_space<vmem>>, vector<16xf32>,
      %add3A_161 = arith.addf %add3A_156, %get3A_160 : vector<16xf32>
      %get3A_162 = arith.constant 7 : i32
      %get3A_163 = arith.index_cast %get3A_162 : i32 to index
      %get3A_164 = arith.constant 16 : index
      %get3A_165 = tpu.vector_load %arg14[%get3A_163, %get3A_164] {strides = array<i32>} : memref<16x128xf32, #tpu.memory_space<vmem>>, vector<16xf32>,
      %add3A_166 = arith.addf %add3A_161, %get3A_165 : vector<16xf32>
      %get3A_167 = arith.constant 8 : i32
      %get3A_168 = arith.index_cast %get3A_167 : i32 to index
      %get3A_169 = arith.constant 16 : index
      %get3A_170 = tpu.vector_load %arg14[%get3A_168, %get3A_169] {strides = array<i32>} : memref<16x128xf32, #tpu.memory_space<vmem>>, vector<16xf32>,
      %add3A_171 = arith.addf %add3A_166, %get3A_170 : vector<16xf32>
      %get3A_172 = arith.constant 9 : i32
      %get3A_173 = arith.index_cast %get3A_172 : i32 to index
      %get3A_174 = arith.constant 16 : index
      %get3A_175 = tpu.vector_load %arg14[%get3A_173, %get3A_174] {strides = array<i32>} : memref<16x128xf32, #tpu.memory_space<vmem>>, vector<16xf32>,
      %add3A_176 = arith.addf %add3A_171, %get3A_175 : vector<16xf32>
      %get3A_177 = arith.constant 10 : i32
      %get3A_178 = arith.index_cast %get3A_177 : i32 to index
      %get3A_179 = arith.constant 16 : index
      %get3A_180 = tpu.vector_load %arg14[%get3A_178, %get3A_179] {strides = array<i32>} : memref<16x128xf32, #tpu.memory_space<vmem>>, vector<16xf32>,
      %add3A_181 = arith.addf %add3A_176, %get3A_180 : vector<16xf32>
      %get3A_182 = arith.constant 11 : i32
      %get3A_183 = arith.index_cast %get3A_182 : i32 to index
      %get3A_184 = arith.constant 16 : index
      %get3A_185 = tpu.vector_load %arg14[%get3A_183, %get3A_184] {strides = array<i32>} : memref<16x128xf32, #tpu.memory_space<vmem>>, vector<16xf32>,
      %add3A_186 = arith.addf %add3A_181, %get3A_185 : vector<16xf32>
      %get3A_187 = arith.constant 12 : i32
      %get3A_188 = arith.index_cast %get3A_187 : i32 to index
      %get3A_189 = arith.constant 16 : index
      %get3A_190 = tpu.vector_load %arg14[%get3A_188, %get3A_189] {strides = array<i32>} : memref<16x128xf32, #tpu.memory_space<vmem>>, vector<16xf32>,
      %add3A_191 = arith.addf %add3A_186, %get3A_190 : vector<16xf32>
      %get3A_192 = arith.constant 13 : i32
      %get3A_193 = arith.index_cast %get3A_192 : i32 to index
      %get3A_194 = arith.constant 16 : index
      %get3A_195 = tpu.vector_load %arg14[%get3A_193, %get3A_194] {strides = array<i32>} : memref<16x128xf32, #tpu.memory_space<vmem>>, vector<16xf32>,
      %add3A_196 = arith.addf %add3A_191, %get3A_195 : vector<16xf32>
      %get3A_197 = arith.constant 14 : i32
      %get3A_198 = arith.index_cast %get3A_197 : i32 to index
      %get3A_199 = arith.constant 16 : index
      %get3A_200 = tpu.vector_load %arg14[%get3A_198, %get3A_199] {strides = array<i32>} : memref<16x128xf32, #tpu.memory_space<vmem>>, vector<16xf32>,
      %add3A_201 = arith.addf %add3A_196, %get3A_200 : vector<16xf32>
      %get3A_202 = arith.constant 15 : i32
      %get3A_203 = arith.index_cast %get3A_202 : i32 to index
      %get3A_204 = arith.constant 16 : index
      %get3A_205 = tpu.vector_load %arg14[%get3A_203, %get3A_204] {strides = array<i32>} : memref<16x128xf32, #tpu.memory_space<vmem>>, vector<16xf32>,
      %add3A_206 = arith.addf %add3A_201, %get3A_205 : vector<16xf32>
      %swap3A_207 = arith.constant 16 : index
      %swap3A_208 = tpu.vector_load %arg13[%swap3A_207] {strides = array<i32>} : memref<128xf32, #tpu.memory_space<vmem>>, vector<16xf32>,
      tpu.vector_store %arg13[%swap3A_207], %add3A_206 {strides = array<i32>} : memref<128xf32, #tpu.memory_space<vmem>>, vector<16xf32>,
      %get3A_209 = arith.constant 0 : i32
      %get3A_210 = arith.index_cast %get3A_209 : i32 to index
      %get3A_211 = arith.constant 32 : index
      %get3A_212 = tpu.vector_load %arg14[%get3A_210, %get3A_211] {strides = array<i32>} : memref<16x128xf32, #tpu.memory_space<vmem>>, vector<16xf32>,
      %get3A_213 = arith.constant 1 : i32
      %get3A_214 = arith.index_cast %get3A_213 : i32 to index
      %get3A_215 = arith.constant 32 : index
      %get3A_216 = tpu.vector_load %arg14[%get3A_214, %get3A_215] {strides = array<i32>} : memref<16x128xf32, #tpu.memory_space<vmem>>, vector<16xf32>,
      %add3A_217 = arith.addf %get3A_212, %get3A_216 : vector<16xf32>
      %get3A_218 = arith.constant 2 : i32
      %get3A_219 = arith.index_cast %get3A_218 : i32 to index
      %get3A_220 = arith.constant 32 : index
      %get3A_221 = tpu.vector_load %arg14[%get3A_219, %get3A_220] {strides = array<i32>} : memref<16x128xf32, #tpu.memory_space<vmem>>, vector<16xf32>,
      %add3A_222 = arith.addf %add3A_217, %get3A_221 : vector<16xf32>
      %get3A_223 = arith.constant 3 : i32
      %get3A_224 = arith.index_cast %get3A_223 : i32 to index
      %get3A_225 = arith.constant 32 : index
      %get3A_226 = tpu.vector_load %arg14[%get3A_224, %get3A_225] {strides = array<i32>} : memref<16x128xf32, #tpu.memory_space<vmem>>, vector<16xf32>,
      %add3A_227 = arith.addf %add3A_222, %get3A_226 : vector<16xf32>
      %get3A_228 = arith.constant 4 : i32
      %get3A_229 = arith.index_cast %get3A_228 : i32 to index
      %get3A_230 = arith.constant 32 : index
      %get3A_231 = tpu.vector_load %arg14[%get3A_229, %get3A_230] {strides = array<i32>} : memref<16x128xf32, #tpu.memory_space<vmem>>, vector<16xf32>,
      %add3A_232 = arith.addf %add3A_227, %get3A_231 : vector<16xf32>
      %get3A_233 = arith.constant 5 : i32
      %get3A_234 = arith.index_cast %get3A_233 : i32 to index
      %get3A_235 = arith.constant 32 : index
      %get3A_236 = tpu.vector_load %arg14[%get3A_234, %get3A_235] {strides = array<i32>} : memref<16x128xf32, #tpu.memory_space<vmem>>, vector<16xf32>,
      %add3A_237 = arith.addf %add3A_232, %get3A_236 : vector<16xf32>
      %get3A_238 = arith.constant 6 : i32
      %get3A_239 = arith.index_cast %get3A_238 : i32 to index
      %get3A_240 = arith.constant 32 : index
      %get3A_241 = tpu.vector_load %arg14[%get3A_239, %get3A_240] {strides = array<i32>} : memref<16x128xf32, #tpu.memory_space<vmem>>, vector<16xf32>,
      %add3A_242 = arith.addf %add3A_237, %get3A_241 : vector<16xf32>
      %get3A_243 = arith.constant 7 : i32
      %get3A_244 = arith.index_cast %get3A_243 : i32 to index
      %get3A_245 = arith.constant 32 : index
      %get3A_246 = tpu.vector_load %arg14[%get3A_244, %get3A_245] {strides = array<i32>} : memref<16x128xf32, #tpu.memory_space<vmem>>, vector<16xf32>,
      %add3A_247 = arith.addf %add3A_242, %get3A_246 : vector<16xf32>
      %get3A_248 = arith.constant 8 : i32
      %get3A_249 = arith.index_cast %get3A_248 : i32 to index
      %get3A_250 = arith.constant 32 : index
      %get3A_251 = tpu.vector_load %arg14[%get3A_249, %get3A_250] {strides = array<i32>} : memref<16x128xf32, #tpu.memory_space<vmem>>, vector<16xf32>,
      %add3A_252 = arith.addf %add3A_247, %get3A_251 : vector<16xf32>
      %get3A_253 = arith.constant 9 : i32
      %get3A_254 = arith.index_cast %get3A_253 : i32 to index
      %get3A_255 = arith.constant 32 : index
      %get3A_256 = tpu.vector_load %arg14[%get3A_254, %get3A_255] {strides = array<i32>} : memref<16x128xf32, #tpu.memory_space<vmem>>, vector<16xf32>,
      %add3A_257 = arith.addf %add3A_252, %get3A_256 : vector<16xf32>
      %get3A_258 = arith.constant 10 : i32
      %get3A_259 = arith.index_cast %get3A_258 : i32 to index
      %get3A_260 = arith.constant 32 : index
      %get3A_261 = tpu.vector_load %arg14[%get3A_259, %get3A_260] {strides = array<i32>} : memref<16x128xf32, #tpu.memory_space<vmem>>, vector<16xf32>,
      %add3A_262 = arith.addf %add3A_257, %get3A_261 : vector<16xf32>
      %get3A_263 = arith.constant 11 : i32
      %get3A_264 = arith.index_cast %get3A_263 : i32 to index
      %get3A_265 = arith.constant 32 : index
      %get3A_266 = tpu.vector_load %arg14[%get3A_264, %get3A_265] {strides = array<i32>} : memref<16x128xf32, #tpu.memory_space<vmem>>, vector<16xf32>,
      %add3A_267 = arith.addf %add3A_262, %get3A_266 : vector<16xf32>
      %get3A_268 = arith.constant 12 : i32
      %get3A_269 = arith.index_cast %get3A_268 : i32 to index
      %get3A_270 = arith.constant 32 : index
      %get3A_271 = tpu.vector_load %arg14[%get3A_269, %get3A_270] {strides = array<i32>} : memref<16x128xf32, #tpu.memory_space<vmem>>, vector<16xf32>,
      %add3A_272 = arith.addf %add3A_267, %get3A_271 : vector<16xf32>
      %get3A_273 = arith.constant 13 : i32
      %get3A_274 = arith.index_cast %get3A_273 : i32 to index
      %get3A_275 = arith.constant 32 : index
      %get3A_276 = tpu.vector_load %arg14[%get3A_274, %get3A_275] {strides = array<i32>} : memref<16x128xf32, #tpu.memory_space<vmem>>, vector<16xf32>,
      %add3A_277 = arith.addf %add3A_272, %get3A_276 : vector<16xf32>
      %get3A_278 = arith.constant 14 : i32
      %get3A_279 = arith.index_cast %get3A_278 : i32 to index
      %get3A_280 = arith.constant 32 : index
      %get3A_281 = tpu.vector_load %arg14[%get3A_279, %get3A_280] {strides = array<i32>} : memref<16x128xf32, #tpu.memory_space<vmem>>, vector<16xf32>,
      %add3A_282 = arith.addf %add3A_277, %get3A_281 : vector<16xf32>
      %get3A_283 = arith.constant 15 : i32
      %get3A_284 = arith.index_cast %get3A_283 : i32 to index
      %get3A_285 = arith.constant 32 : index
      %get3A_286 = tpu.vector_load %arg14[%get3A_284, %get3A_285] {strides = array<i32>} : memref<16x128xf32, #tpu.memory_space<vmem>>, vector<16xf32>,
      %add3A_287 = arith.addf %add3A_282, %get3A_286 : vector<16xf32>
      %swap3A_288 = arith.constant 32 : index
      %swap3A_289 = tpu.vector_load %arg13[%swap3A_288] {strides = array<i32>} : memref<128xf32, #tpu.memory_space<vmem>>, vector<16xf32>,
      tpu.vector_store %arg13[%swap3A_288], %add3A_287 {strides = array<i32>} : memref<128xf32, #tpu.memory_space<vmem>>, vector<16xf32>,
      %get3A_290 = arith.constant 0 : i32
      %get3A_291 = arith.index_cast %get3A_290 : i32 to index
      %get3A_292 = arith.constant 48 : index
      %get3A_293 = tpu.vector_load %arg14[%get3A_291, %get3A_292] {strides = array<i32>} : memref<16x128xf32, #tpu.memory_space<vmem>>, vector<16xf32>,
      %get3A_294 = arith.constant 1 : i32
      %get3A_295 = arith.index_cast %get3A_294 : i32 to index
      %get3A_296 = arith.constant 48 : index
      %get3A_297 = tpu.vector_load %arg14[%get3A_295, %get3A_296] {strides = array<i32>} : memref<16x128xf32, #tpu.memory_space<vmem>>, vector<16xf32>,
      %add3A_298 = arith.addf %get3A_293, %get3A_297 : vector<16xf32>
      %get3A_299 = arith.constant 2 : i32
      %get3A_300 = arith.index_cast %get3A_299 : i32 to index
      %get3A_301 = arith.constant 48 : index
      %get3A_302 = tpu.vector_load %arg14[%get3A_300, %get3A_301] {strides = array<i32>} : memref<16x128xf32, #tpu.memory_space<vmem>>, vector<16xf32>,
      %add3A_303 = arith.addf %add3A_298, %get3A_302 : vector<16xf32>
      %get3A_304 = arith.constant 3 : i32
      %get3A_305 = arith.index_cast %get3A_304 : i32 to index
      %get3A_306 = arith.constant 48 : index
      %get3A_307 = tpu.vector_load %arg14[%get3A_305, %get3A_306] {strides = array<i32>} : memref<16x128xf32, #tpu.memory_space<vmem>>, vector<16xf32>,
      %add3A_308 = arith.addf %add3A_303, %get3A_307 : vector<16xf32>
      %get3A_309 = arith.constant 4 : i32
      %get3A_310 = arith.index_cast %get3A_309 : i32 to index
      %get3A_311 = arith.constant 48 : index
      %get3A_312 = tpu.vector_load %arg14[%get3A_310, %get3A_311] {strides = array<i32>} : memref<16x128xf32, #tpu.memory_space<vmem>>, vector<16xf32>,
      %add3A_313 = arith.addf %add3A_308, %get3A_312 : vector<16xf32>
      %get3A_314 = arith.constant 5 : i32
      %get3A_315 = arith.index_cast %get3A_314 : i32 to index
      %get3A_316 = arith.constant 48 : index
      %get3A_317 = tpu.vector_load %arg14[%get3A_315, %get3A_316] {strides = array<i32>} : memref<16x128xf32, #tpu.memory_space<vmem>>, vector<16xf32>,
      %add3A_318 = arith.addf %add3A_313, %get3A_317 : vector<16xf32>
      %get3A_319 = arith.constant 6 : i32
      %get3A_320 = arith.index_cast %get3A_319 : i32 to index
      %get3A_321 = arith.constant 48 : index
      %get3A_322 = tpu.vector_load %arg14[%get3A_320, %get3A_321] {strides = array<i32>} : memref<16x128xf32, #tpu.memory_space<vmem>>, vector<16xf32>,
      %add3A_323 = arith.addf %add3A_318, %get3A_322 : vector<16xf32>
      %get3A_324 = arith.constant 7 : i32
      %get3A_325 = arith.index_cast %get3A_324 : i32 to index
      %get3A_326 = arith.constant 48 : index
      %get3A_327 = tpu.vector_load %arg14[%get3A_325, %get3A_326] {strides = array<i32>} : memref<16x128xf32, #tpu.memory_space<vmem>>, vector<16xf32>,
      %add3A_328 = arith.addf %add3A_323, %get3A_327 : vector<16xf32>
      %get3A_329 = arith.constant 8 : i32
      %get3A_330 = arith.index_cast %get3A_329 : i32 to index
      %get3A_331 = arith.constant 48 : index
      %get3A_332 = tpu.vector_load %arg14[%get3A_330, %get3A_331] {strides = array<i32>} : memref<16x128xf32, #tpu.memory_space<vmem>>, vector<16xf32>,
      %add3A_333 = arith.addf %add3A_328, %get3A_332 : vector<16xf32>
      %get3A_334 = arith.constant 9 : i32
      %get3A_335 = arith.index_cast %get3A_334 : i32 to index
      %get3A_336 = arith.constant 48 : index
      %get3A_337 = tpu.vector_load %arg14[%get3A_335, %get3A_336] {strides = array<i32>} : memref<16x128xf32, #tpu.memory_space<vmem>>, vector<16xf32>,
      %add3A_338 = arith.addf %add3A_333, %get3A_337 : vector<16xf32>
      %get3A_339 = arith.constant 10 : i32
      %get3A_340 = arith.index_cast %get3A_339 : i32 to index
      %get3A_341 = arith.constant 48 : index
      %get3A_342 = tpu.vector_load %arg14[%get3A_340, %get3A_341] {strides = array<i32>} : memref<16x128xf32, #tpu.memory_space<vmem>>, vector<16xf32>,
      %add3A_343 = arith.addf %add3A_338, %get3A_342 : vector<16xf32>
      %get3A_344 = arith.constant 11 : i32
      %get3A_345 = arith.index_cast %get3A_344 : i32 to index
      %get3A_346 = arith.constant 48 : index
      %get3A_347 = tpu.vector_load %arg14[%get3A_345, %get3A_346] {strides = array<i32>} : memref<16x128xf32, #tpu.memory_space<vmem>>, vector<16xf32>,
      %add3A_348 = arith.addf %add3A_343, %get3A_347 : vector<16xf32>
      %get3A_349 = arith.constant 12 : i32
      %get3A_350 = arith.index_cast %get3A_349 : i32 to index
      %get3A_351 = arith.constant 48 : index
      %get3A_352 = tpu.vector_load %arg14[%get3A_350, %get3A_351] {strides = array<i32>} : memref<16x128xf32, #tpu.memory_space<vmem>>, vector<16xf32>,
      %add3A_353 = arith.addf %add3A_348, %get3A_352 : vector<16xf32>
      %get3A_354 = arith.constant 13 : i32
      %get3A_355 = arith.index_cast %get3A_354 : i32 to index
      %get3A_356 = arith.constant 48 : index
      %get3A_357 = tpu.vector_load %arg14[%get3A_355, %get3A_356] {strides = array<i32>} : memref<16x128xf32, #tpu.memory_space<vmem>>, vector<16xf32>,
      %add3A_358 = arith.addf %add3A_353, %get3A_357 : vector<16xf32>
      %get3A_359 = arith.constant 14 : i32
      %get3A_360 = arith.index_cast %get3A_359 : i32 to index
      %get3A_361 = arith.constant 48 : index
      %get3A_362 = tpu.vector_load %arg14[%get3A_360, %get3A_361] {strides = array<i32>} : memref<16x128xf32, #tpu.memory_space<vmem>>, vector<16xf32>,
      %add3A_363 = arith.addf %add3A_358, %get3A_362 : vector<16xf32>
      %get3A_364 = arith.constant 15 : i32
      %get3A_365 = arith.index_cast %get3A_364 : i32 to index
      %get3A_366 = arith.constant 48 : index
      %get3A_367 = tpu.vector_load %arg14[%get3A_365, %get3A_366] {strides = array<i32>} : memref<16x128xf32, #tpu.memory_space<vmem>>, vector<16xf32>,
      %add3A_368 = arith.addf %add3A_363, %get3A_367 : vector<16xf32>
      %swap3A_369 = arith.constant 48 : index
      %swap3A_370 = tpu.vector_load %arg13[%swap3A_369] {strides = array<i32>} : memref<128xf32, #tpu.memory_space<vmem>>, vector<16xf32>,
      tpu.vector_store %arg13[%swap3A_369], %add3A_368 {strides = array<i32>} : memref<128xf32, #tpu.memory_space<vmem>>, vector<16xf32>,
      %get3A_371 = arith.constant 0 : i32
      %get3A_372 = arith.index_cast %get3A_371 : i32 to index
      %get3A_373 = arith.constant 64 : index
      %get3A_374 = tpu.vector_load %arg14[%get3A_372, %get3A_373] {strides = array<i32>} : memref<16x128xf32, #tpu.memory_space<vmem>>, vector<16xf32>,
      %get3A_375 = arith.constant 1 : i32
      %get3A_376 = arith.index_cast %get3A_375 : i32 to index
      %get3A_377 = arith.constant 64 : index
      %get3A_378 = tpu.vector_load %arg14[%get3A_376, %get3A_377] {strides = array<i32>} : memref<16x128xf32, #tpu.memory_space<vmem>>, vector<16xf32>,
      %add3A_379 = arith.addf %get3A_374, %get3A_378 : vector<16xf32>
      %get3A_380 = arith.constant 2 : i32
      %get3A_381 = arith.index_cast %get3A_380 : i32 to index
      %get3A_382 = arith.constant 64 : index
      %get3A_383 = tpu.vector_load %arg14[%get3A_381, %get3A_382] {strides = array<i32>} : memref<16x128xf32, #tpu.memory_space<vmem>>, vector<16xf32>,
      %add3A_384 = arith.addf %add3A_379, %get3A_383 : vector<16xf32>
      %get3A_385 = arith.constant 3 : i32
      %get3A_386 = arith.index_cast %get3A_385 : i32 to index
      %get3A_387 = arith.constant 64 : index
      %get3A_388 = tpu.vector_load %arg14[%get3A_386, %get3A_387] {strides = array<i32>} : memref<16x128xf32, #tpu.memory_space<vmem>>, vector<16xf32>,
      %add3A_389 = arith.addf %add3A_384, %get3A_388 : vector<16xf32>
      %get3A_390 = arith.constant 4 : i32
      %get3A_391 = arith.index_cast %get3A_390 : i32 to index
      %get3A_392 = arith.constant 64 : index
      %get3A_393 = tpu.vector_load %arg14[%get3A_391, %get3A_392] {strides = array<i32>} : memref<16x128xf32, #tpu.memory_space<vmem>>, vector<16xf32>,
      %add3A_394 = arith.addf %add3A_389, %get3A_393 : vector<16xf32>
      %get3A_395 = arith.constant 5 : i32
      %get3A_396 = arith.index_cast %get3A_395 : i32 to index
      %get3A_397 = arith.constant 64 : index
      %get3A_398 = tpu.vector_load %arg14[%get3A_396, %get3A_397] {strides = array<i32>} : memref<16x128xf32, #tpu.memory_space<vmem>>, vector<16xf32>,
      %add3A_399 = arith.addf %add3A_394, %get3A_398 : vector<16xf32>
      %get3A_400 = arith.constant 6 : i32
      %get3A_401 = arith.index_cast %get3A_400 : i32 to index
      %get3A_402 = arith.constant 64 : index
      %get3A_403 = tpu.vector_load %arg14[%get3A_401, %get3A_402] {strides = array<i32>} : memref<16x128xf32, #tpu.memory_space<vmem>>, vector<16xf32>,
      %add3A_404 = arith.addf %add3A_399, %get3A_403 : vector<16xf32>
      %get3A_405 = arith.constant 7 : i32
      %get3A_406 = arith.index_cast %get3A_405 : i32 to index
      %get3A_407 = arith.constant 64 : index
      %get3A_408 = tpu.vector_load %arg14[%get3A_406, %get3A_407] {strides = array<i32>} : memref<16x128xf32, #tpu.memory_space<vmem>>, vector<16xf32>,
      %add3A_409 = arith.addf %add3A_404, %get3A_408 : vector<16xf32>
      %get3A_410 = arith.constant 8 : i32
      %get3A_411 = arith.index_cast %get3A_410 : i32 to index
      %get3A_412 = arith.constant 64 : index
      %get3A_413 = tpu.vector_load %arg14[%get3A_411, %get3A_412] {strides = array<i32>} : memref<16x128xf32, #tpu.memory_space<vmem>>, vector<16xf32>,
      %add3A_414 = arith.addf %add3A_409, %get3A_413 : vector<16xf32>
      %get3A_415 = arith.constant 9 : i32
      %get3A_416 = arith.index_cast %get3A_415 : i32 to index
      %get3A_417 = arith.constant 64 : index
      %get3A_418 = tpu.vector_load %arg14[%get3A_416, %get3A_417] {strides = array<i32>} : memref<16x128xf32, #tpu.memory_space<vmem>>, vector<16xf32>,
      %add3A_419 = arith.addf %add3A_414, %get3A_418 : vector<16xf32>
      %get3A_420 = arith.constant 10 : i32
      %get3A_421 = arith.index_cast %get3A_420 : i32 to index
      %get3A_422 = arith.constant 64 : index
      %get3A_423 = tpu.vector_load %arg14[%get3A_421, %get3A_422] {strides = array<i32>} : memref<16x128xf32, #tpu.memory_space<vmem>>, vector<16xf32>,
      %add3A_424 = arith.addf %add3A_419, %get3A_423 : vector<16xf32>
      %get3A_425 = arith.constant 11 : i32
      %get3A_426 = arith.index_cast %get3A_425 : i32 to index
      %get3A_427 = arith.constant 64 : index
      %get3A_428 = tpu.vector_load %arg14[%get3A_426, %get3A_427] {strides = array<i32>} : memref<16x128xf32, #tpu.memory_space<vmem>>, vector<16xf32>,
      %add3A_429 = arith.addf %add3A_424, %get3A_428 : vector<16xf32>
      %get3A_430 = arith.constant 12 : i32
      %get3A_431 = arith.index_cast %get3A_430 : i32 to index
      %get3A_432 = arith.constant 64 : index
      %get3A_433 = tpu.vector_load %arg14[%get3A_431, %get3A_432] {strides = array<i32>} : memref<16x128xf32, #tpu.memory_space<vmem>>, vector<16xf32>,
      %add3A_434 = arith.addf %add3A_429, %get3A_433 : vector<16xf32>
      %get3A_435 = arith.constant 13 : i32
      %get3A_436 = arith.index_cast %get3A_435 : i32 to index
      %get3A_437 = arith.constant 64 : index
      %get3A_438 = tpu.vector_load %arg14[%get3A_436, %get3A_437] {strides = array<i32>} : memref<16x128xf32, #tpu.memory_space<vmem>>, vector<16xf32>,
      %add3A_439 = arith.addf %add3A_434, %get3A_438 : vector<16xf32>
      %get3A_440 = arith.constant 14 : i32
      %get3A_441 = arith.index_cast %get3A_440 : i32 to index
      %get3A_442 = arith.constant 64 : index
      %get3A_443 = tpu.vector_load %arg14[%get3A_441, %get3A_442] {strides = array<i32>} : memref<16x128xf32, #tpu.memory_space<vmem>>, vector<16xf32>,
      %add3A_444 = arith.addf %add3A_439, %get3A_443 : vector<16xf32>
      %get3A_445 = arith.constant 15 : i32
      %get3A_446 = arith.index_cast %get3A_445 : i32 to index
      %get3A_447 = arith.constant 64 : index
      %get3A_448 = tpu.vector_load %arg14[%get3A_446, %get3A_447] {strides = array<i32>} : memref<16x128xf32, #tpu.memory_space<vmem>>, vector<16xf32>,
      %add3A_449 = arith.addf %add3A_444, %get3A_448 : vector<16xf32>
      %swap3A_450 = arith.constant 64 : index
      %swap3A_451 = tpu.vector_load %arg13[%swap3A_450] {strides = array<i32>} : memref<128xf32, #tpu.memory_space<vmem>>, vector<16xf32>,
      tpu.vector_store %arg13[%swap3A_450], %add3A_449 {strides = array<i32>} : memref<128xf32, #tpu.memory_space<vmem>>, vector<16xf32>,
      %get3A_452 = arith.constant 0 : i32
      %get3A_453 = arith.index_cast %get3A_452 : i32 to index
      %get3A_454 = arith.constant 80 : index
      %get3A_455 = tpu.vector_load %arg14[%get3A_453, %get3A_454] {strides = array<i32>} : memref<16x128xf32, #tpu.memory_space<vmem>>, vector<16xf32>,
      %get3A_456 = arith.constant 1 : i32
      %get3A_457 = arith.index_cast %get3A_456 : i32 to index
      %get3A_458 = arith.constant 80 : index
      %get3A_459 = tpu.vector_load %arg14[%get3A_457, %get3A_458] {strides = array<i32>} : memref<16x128xf32, #tpu.memory_space<vmem>>, vector<16xf32>,
      %add3A_460 = arith.addf %get3A_455, %get3A_459 : vector<16xf32>
      %get3A_461 = arith.constant 2 : i32
      %get3A_462 = arith.index_cast %get3A_461 : i32 to index
      %get3A_463 = arith.constant 80 : index
      %get3A_464 = tpu.vector_load %arg14[%get3A_462, %get3A_463] {strides = array<i32>} : memref<16x128xf32, #tpu.memory_space<vmem>>, vector<16xf32>,
      %add3A_465 = arith.addf %add3A_460, %get3A_464 : vector<16xf32>
      %get3A_466 = arith.constant 3 : i32
      %get3A_467 = arith.index_cast %get3A_466 : i32 to index
      %get3A_468 = arith.constant 80 : index
      %get3A_469 = tpu.vector_load %arg14[%get3A_467, %get3A_468] {strides = array<i32>} : memref<16x128xf32, #tpu.memory_space<vmem>>, vector<16xf32>,
      %add3A_470 = arith.addf %add3A_465, %get3A_469 : vector<16xf32>
      %get3A_471 = arith.constant 4 : i32
      %get3A_472 = arith.index_cast %get3A_471 : i32 to index
      %get3A_473 = arith.constant 80 : index
      %get3A_474 = tpu.vector_load %arg14[%get3A_472, %get3A_473] {strides = array<i32>} : memref<16x128xf32, #tpu.memory_space<vmem>>, vector<16xf32>,
      %add3A_475 = arith.addf %add3A_470, %get3A_474 : vector<16xf32>
      %get3A_476 = arith.constant 5 : i32
      %get3A_477 = arith.index_cast %get3A_476 : i32 to index
      %get3A_478 = arith.constant 80 : index
      %get3A_479 = tpu.vector_load %arg14[%get3A_477, %get3A_478] {strides = array<i32>} : memref<16x128xf32, #tpu.memory_space<vmem>>, vector<16xf32>,
      %add3A_480 = arith.addf %add3A_475, %get3A_479 : vector<16xf32>
      %get3A_481 = arith.constant 6 : i32
      %get3A_482 = arith.index_cast %get3A_481 : i32 to index
      %get3A_483 = arith.constant 80 : index
      %get3A_484 = tpu.vector_load %arg14[%get3A_482, %get3A_483] {strides = array<i32>} : memref<16x128xf32, #tpu.memory_space<vmem>>, vector<16xf32>,
      %add3A_485 = arith.addf %add3A_480, %get3A_484 : vector<16xf32>
      %get3A_486 = arith.constant 7 : i32
      %get3A_487 = arith.index_cast %get3A_486 : i32 to index
      %get3A_488 = arith.constant 80 : index
      %get3A_489 = tpu.vector_load %arg14[%get3A_487, %get3A_488] {strides = array<i32>} : memref<16x128xf32, #tpu.memory_space<vmem>>, vector<16xf32>,
      %add3A_490 = arith.addf %add3A_485, %get3A_489 : vector<16xf32>
      %get3A_491 = arith.constant 8 : i32
      %get3A_492 = arith.index_cast %get3A_491 : i32 to index
      %get3A_493 = arith.constant 80 : index
      %get3A_494 = tpu.vector_load %arg14[%get3A_492, %get3A_493] {strides = array<i32>} : memref<16x128xf32, #tpu.memory_space<vmem>>, vector<16xf32>,
      %add3A_495 = arith.addf %add3A_490, %get3A_494 : vector<16xf32>
      %get3A_496 = arith.constant 9 : i32
      %get3A_497 = arith.index_cast %get3A_496 : i32 to index
      %get3A_498 = arith.constant 80 : index
      %get3A_499 = tpu.vector_load %arg14[%get3A_497, %get3A_498] {strides = array<i32>} : memref<16x128xf32, #tpu.memory_space<vmem>>, vector<16xf32>,
      %add3A_500 = arith.addf %add3A_495, %get3A_499 : vector<16xf32>
      %get3A_501 = arith.constant 10 : i32
      %get3A_502 = arith.index_cast %get3A_501 : i32 to index
      %get3A_503 = arith.constant 80 : index
      %get3A_504 = tpu.vector_load %arg14[%get3A_502, %get3A_503] {strides = array<i32>} : memref<16x128xf32, #tpu.memory_space<vmem>>, vector<16xf32>,
      %add3A_505 = arith.addf %add3A_500, %get3A_504 : vector<16xf32>
      %get3A_506 = arith.constant 11 : i32
      %get3A_507 = arith.index_cast %get3A_506 : i32 to index
      %get3A_508 = arith.constant 80 : index
      %get3A_509 = tpu.vector_load %arg14[%get3A_507, %get3A_508] {strides = array<i32>} : memref<16x128xf32, #tpu.memory_space<vmem>>, vector<16xf32>,
      %add3A_510 = arith.addf %add3A_505, %get3A_509 : vector<16xf32>
      %get3A_511 = arith.constant 12 : i32
      %get3A_512 = arith.index_cast %get3A_511 : i32 to index
      %get3A_513 = arith.constant 80 : index
      %get3A_514 = tpu.vector_load %arg14[%get3A_512, %get3A_513] {strides = array<i32>} : memref<16x128xf32, #tpu.memory_space<vmem>>, vector<16xf32>,
      %add3A_515 = arith.addf %add3A_510, %get3A_514 : vector<16xf32>
      %get3A_516 = arith.constant 13 : i32
      %get3A_517 = arith.index_cast %get3A_516 : i32 to index
      %get3A_518 = arith.constant 80 : index
      %get3A_519 = tpu.vector_load %arg14[%get3A_517, %get3A_518] {strides = array<i32>} : memref<16x128xf32, #tpu.memory_space<vmem>>, vector<16xf32>,
      %add3A_520 = arith.addf %add3A_515, %get3A_519 : vector<16xf32>
      %get3A_521 = arith.constant 14 : i32
      %get3A_522 = arith.index_cast %get3A_521 : i32 to index
      %get3A_523 = arith.constant 80 : index
      %get3A_524 = tpu.vector_load %arg14[%get3A_522, %get3A_523] {strides = array<i32>} : memref<16x128xf32, #tpu.memory_space<vmem>>, vector<16xf32>,
      %add3A_525 = arith.addf %add3A_520, %get3A_524 : vector<16xf32>
      %get3A_526 = arith.constant 15 : i32
      %get3A_527 = arith.index_cast %get3A_526 : i32 to index
      %get3A_528 = arith.constant 80 : index
      %get3A_529 = tpu.vector_load %arg14[%get3A_527, %get3A_528] {strides = array<i32>} : memref<16x128xf32, #tpu.memory_space<vmem>>, vector<16xf32>,
      %add3A_530 = arith.addf %add3A_525, %get3A_529 : vector<16xf32>
      %swap3A_531 = arith.constant 80 : index
      %swap3A_532 = tpu.vector_load %arg13[%swap3A_531] {strides = array<i32>} : memref<128xf32, #tpu.memory_space<vmem>>, vector<16xf32>,
      tpu.vector_store %arg13[%swap3A_531], %add3A_530 {strides = array<i32>} : memref<128xf32, #tpu.memory_space<vmem>>, vector<16xf32>,
      %get3A_533 = arith.constant 0 : i32
      %get3A_534 = arith.index_cast %get3A_533 : i32 to index
      %get3A_535 = arith.constant 96 : index
      %get3A_536 = tpu.vector_load %arg14[%get3A_534, %get3A_535] {strides = array<i32>} : memref<16x128xf32, #tpu.memory_space<vmem>>, vector<16xf32>,
      %get3A_537 = arith.constant 1 : i32
      %get3A_538 = arith.index_cast %get3A_537 : i32 to index
      %get3A_539 = arith.constant 96 : index
      %get3A_540 = tpu.vector_load %arg14[%get3A_538, %get3A_539] {strides = array<i32>} : memref<16x128xf32, #tpu.memory_space<vmem>>, vector<16xf32>,
      %add3A_541 = arith.addf %get3A_536, %get3A_540 : vector<16xf32>
      %get3A_542 = arith.constant 2 : i32
      %get3A_543 = arith.index_cast %get3A_542 : i32 to index
      %get3A_544 = arith.constant 96 : index
      %get3A_545 = tpu.vector_load %arg14[%get3A_543, %get3A_544] {strides = array<i32>} : memref<16x128xf32, #tpu.memory_space<vmem>>, vector<16xf32>,
      %add3A_546 = arith.addf %add3A_541, %get3A_545 : vector<16xf32>
      %get3A_547 = arith.constant 3 : i32
      %get3A_548 = arith.index_cast %get3A_547 : i32 to index
      %get3A_549 = arith.constant 96 : index
      %get3A_550 = tpu.vector_load %arg14[%get3A_548, %get3A_549] {strides = array<i32>} : memref<16x128xf32, #tpu.memory_space<vmem>>, vector<16xf32>,
      %add3A_551 = arith.addf %add3A_546, %get3A_550 : vector<16xf32>
      %get3A_552 = arith.constant 4 : i32
      %get3A_553 = arith.index_cast %get3A_552 : i32 to index
      %get3A_554 = arith.constant 96 : index
      %get3A_555 = tpu.vector_load %arg14[%get3A_553, %get3A_554] {strides = array<i32>} : memref<16x128xf32, #tpu.memory_space<vmem>>, vector<16xf32>,
      %add3A_556 = arith.addf %add3A_551, %get3A_555 : vector<16xf32>
      %get3A_557 = arith.constant 5 : i32
      %get3A_558 = arith.index_cast %get3A_557 : i32 to index
      %get3A_559 = arith.constant 96 : index
      %get3A_560 = tpu.vector_load %arg14[%get3A_558, %get3A_559] {strides = array<i32>} : memref<16x128xf32, #tpu.memory_space<vmem>>, vector<16xf32>,
      %add3A_561 = arith.addf %add3A_556, %get3A_560 : vector<16xf32>
      %get3A_562 = arith.constant 6 : i32
      %get3A_563 = arith.index_cast %get3A_562 : i32 to index
      %get3A_564 = arith.constant 96 : index
      %get3A_565 = tpu.vector_load %arg14[%get3A_563, %get3A_564] {strides = array<i32>} : memref<16x128xf32, #tpu.memory_space<vmem>>, vector<16xf32>,
      %add3A_566 = arith.addf %add3A_561, %get3A_565 : vector<16xf32>
      %get3A_567 = arith.constant 7 : i32
      %get3A_568 = arith.index_cast %get3A_567 : i32 to index
      %get3A_569 = arith.constant 96 : index
      %get3A_570 = tpu.vector_load %arg14[%get3A_568, %get3A_569] {strides = array<i32>} : memref<16x128xf32, #tpu.memory_space<vmem>>, vector<16xf32>,
      %add3A_571 = arith.addf %add3A_566, %get3A_570 : vector<16xf32>
      %get3A_572 = arith.constant 8 : i32
      %get3A_573 = arith.index_cast %get3A_572 : i32 to index
      %get3A_574 = arith.constant 96 : index
      %get3A_575 = tpu.vector_load %arg14[%get3A_573, %get3A_574] {strides = array<i32>} : memref<16x128xf32, #tpu.memory_space<vmem>>, vector<16xf32>,
      %add3A_576 = arith.addf %add3A_571, %get3A_575 : vector<16xf32>
      %get3A_577 = arith.constant 9 : i32
      %get3A_578 = arith.index_cast %get3A_577 : i32 to index
      %get3A_579 = arith.constant 96 : index
      %get3A_580 = tpu.vector_load %arg14[%get3A_578, %get3A_579] {strides = array<i32>} : memref<16x128xf32, #tpu.memory_space<vmem>>, vector<16xf32>,
      %add3A_581 = arith.addf %add3A_576, %get3A_580 : vector<16xf32>
      %get3A_582 = arith.constant 10 : i32
      %get3A_583 = arith.index_cast %get3A_582 : i32 to index
      %get3A_584 = arith.constant 96 : index
      %get3A_585 = tpu.vector_load %arg14[%get3A_583, %get3A_584] {strides = array<i32>} : memref<16x128xf32, #tpu.memory_space<vmem>>, vector<16xf32>,
      %add3A_586 = arith.addf %add3A_581, %get3A_585 : vector<16xf32>
      %get3A_587 = arith.constant 11 : i32
      %get3A_588 = arith.index_cast %get3A_587 : i32 to index
      %get3A_589 = arith.constant 96 : index
      %get3A_590 = tpu.vector_load %arg14[%get3A_588, %get3A_589] {strides = array<i32>} : memref<16x128xf32, #tpu.memory_space<vmem>>, vector<16xf32>,
      %add3A_591 = arith.addf %add3A_586, %get3A_590 : vector<16xf32>
      %get3A_592 = arith.constant 12 : i32
      %get3A_593 = arith.index_cast %get3A_592 : i32 to index
      %get3A_594 = arith.constant 96 : index
      %get3A_595 = tpu.vector_load %arg14[%get3A_593, %get3A_594] {strides = array<i32>} : memref<16x128xf32, #tpu.memory_space<vmem>>, vector<16xf32>,
      %add3A_596 = arith.addf %add3A_591, %get3A_595 : vector<16xf32>
      %get3A_597 = arith.constant 13 : i32
      %get3A_598 = arith.index_cast %get3A_597 : i32 to index
      %get3A_599 = arith.constant 96 : index
      %get3A_600 = tpu.vector_load %arg14[%get3A_598, %get3A_599] {strides = array<i32>} : memref<16x128xf32, #tpu.memory_space<vmem>>, vector<16xf32>,
      %add3A_601 = arith.addf %add3A_596, %get3A_600 : vector<16xf32>
      %get3A_602 = arith.constant 14 : i32
      %get3A_603 = arith.index_cast %get3A_602 : i32 to index
      %get3A_604 = arith.constant 96 : index
      %get3A_605 = tpu.vector_load %arg14[%get3A_603, %get3A_604] {strides = array<i32>} : memref<16x128xf32, #tpu.memory_space<vmem>>, vector<16xf32>,
      %add3A_606 = arith.addf %add3A_601, %get3A_605 : vector<16xf32>
      %get3A_607 = arith.constant 15 : i32
      %get3A_608 = arith.index_cast %get3A_607 : i32 to index
      %get3A_609 = arith.constant 96 : index
      %get3A_610 = tpu.vector_load %arg14[%get3A_608, %get3A_609] {strides = array<i32>} : memref<16x128xf32, #tpu.memory_space<vmem>>, vector<16xf32>,
      %add3A_611 = arith.addf %add3A_606, %get3A_610 : vector<16xf32>
      %swap3A_612 = arith.constant 96 : index
      %swap3A_613 = tpu.vector_load %arg13[%swap3A_612] {strides = array<i32>} : memref<128xf32, #tpu.memory_space<vmem>>, vector<16xf32>,
      tpu.vector_store %arg13[%swap3A_612], %add3A_611 {strides = array<i32>} : memref<128xf32, #tpu.memory_space<vmem>>, vector<16xf32>,
      %get3A_614 = arith.constant 0 : i32
      %get3A_615 = arith.index_cast %get3A_614 : i32 to index
      %get3A_616 = arith.constant 112 : index
      %get3A_617 = tpu.vector_load %arg14[%get3A_615, %get3A_616] {strides = array<i32>} : memref<16x128xf32, #tpu.memory_space<vmem>>, vector<16xf32>,
      %get3A_618 = arith.constant 1 : i32
      %get3A_619 = arith.index_cast %get3A_618 : i32 to index
      %get3A_620 = arith.constant 112 : index
      %get3A_621 = tpu.vector_load %arg14[%get3A_619, %get3A_620] {strides = array<i32>} : memref<16x128xf32, #tpu.memory_space<vmem>>, vector<16xf32>,
      %add3A_622 = arith.addf %get3A_617, %get3A_621 : vector<16xf32>
      %get3A_623 = arith.constant 2 : i32
      %get3A_624 = arith.index_cast %get3A_623 : i32 to index
      %get3A_625 = arith.constant 112 : index
      %get3A_626 = tpu.vector_load %arg14[%get3A_624, %get3A_625] {strides = array<i32>} : memref<16x128xf32, #tpu.memory_space<vmem>>, vector<16xf32>,
      %add3A_627 = arith.addf %add3A_622, %get3A_626 : vector<16xf32>
      %get3A_628 = arith.constant 3 : i32
      %get3A_629 = arith.index_cast %get3A_628 : i32 to index
      %get3A_630 = arith.constant 112 : index
      %get3A_631 = tpu.vector_load %arg14[%get3A_629, %get3A_630] {strides = array<i32>} : memref<16x128xf32, #tpu.memory_space<vmem>>, vector<16xf32>,
      %add3A_632 = arith.addf %add3A_627, %get3A_631 : vector<16xf32>
      %get3A_633 = arith.constant 4 : i32
      %get3A_634 = arith.index_cast %get3A_633 : i32 to index
      %get3A_635 = arith.constant 112 : index
      %get3A_636 = tpu.vector_load %arg14[%get3A_634, %get3A_635] {strides = array<i32>} : memref<16x128xf32, #tpu.memory_space<vmem>>, vector<16xf32>,
      %add3A_637 = arith.addf %add3A_632, %get3A_636 : vector<16xf32>
      %get3A_638 = arith.constant 5 : i32
      %get3A_639 = arith.index_cast %get3A_638 : i32 to index
      %get3A_640 = arith.constant 112 : index
      %get3A_641 = tpu.vector_load %arg14[%get3A_639, %get3A_640] {strides = array<i32>} : memref<16x128xf32, #tpu.memory_space<vmem>>, vector<16xf32>,
      %add3A_642 = arith.addf %add3A_637, %get3A_641 : vector<16xf32>
      %get3A_643 = arith.constant 6 : i32
      %get3A_644 = arith.index_cast %get3A_643 : i32 to index
      %get3A_645 = arith.constant 112 : index
      %get3A_646 = tpu.vector_load %arg14[%get3A_644, %get3A_645] {strides = array<i32>} : memref<16x128xf32, #tpu.memory_space<vmem>>, vector<16xf32>,
      %add3A_647 = arith.addf %add3A_642, %get3A_646 : vector<16xf32>
      %get3A_648 = arith.constant 7 : i32
      %get3A_649 = arith.index_cast %get3A_648 : i32 to index
      %get3A_650 = arith.constant 112 : index
      %get3A_651 = tpu.vector_load %arg14[%get3A_649, %get3A_650] {strides = array<i32>} : memref<16x128xf32, #tpu.memory_space<vmem>>, vector<16xf32>,
      %add3A_652 = arith.addf %add3A_647, %get3A_651 : vector<16xf32>
      %get3A_653 = arith.constant 8 : i32
      %get3A_654 = arith.index_cast %get3A_653 : i32 to index
      %get3A_655 = arith.constant 112 : index
      %get3A_656 = tpu.vector_load %arg14[%get3A_654, %get3A_655] {strides = array<i32>} : memref<16x128xf32, #tpu.memory_space<vmem>>, vector<16xf32>,
      %add3A_657 = arith.addf %add3A_652, %get3A_656 : vector<16xf32>
      %get3A_658 = arith.constant 9 : i32
      %get3A_659 = arith.index_cast %get3A_658 : i32 to index
      %get3A_660 = arith.constant 112 : index
      %get3A_661 = tpu.vector_load %arg14[%get3A_659, %get3A_660] {strides = array<i32>} : memref<16x128xf32, #tpu.memory_space<vmem>>, vector<16xf32>,
      %add3A_662 = arith.addf %add3A_657, %get3A_661 : vector<16xf32>
      %get3A_663 = arith.constant 10 : i32
      %get3A_664 = arith.index_cast %get3A_663 : i32 to index
      %get3A_665 = arith.constant 112 : index
      %get3A_666 = tpu.vector_load %arg14[%get3A_664, %get3A_665] {strides = array<i32>} : memref<16x128xf32, #tpu.memory_space<vmem>>, vector<16xf32>,
      %add3A_667 = arith.addf %add3A_662, %get3A_666 : vector<16xf32>
      %get3A_668 = arith.constant 11 : i32
      %get3A_669 = arith.index_cast %get3A_668 : i32 to index
      %get3A_670 = arith.constant 112 : index
      %get3A_671 = tpu.vector_load %arg14[%get3A_669, %get3A_670] {strides = array<i32>} : memref<16x128xf32, #tpu.memory_space<vmem>>, vector<16xf32>,
      %add3A_672 = arith.addf %add3A_667, %get3A_671 : vector<16xf32>
      %get3A_673 = arith.constant 12 : i32
      %get3A_674 = arith.index_cast %get3A_673 : i32 to index
      %get3A_675 = arith.constant 112 : index
      %get3A_676 = tpu.vector_load %arg14[%get3A_674, %get3A_675] {strides = array<i32>} : memref<16x128xf32, #tpu.memory_space<vmem>>, vector<16xf32>,
      %add3A_677 = arith.addf %add3A_672, %get3A_676 : vector<16xf32>
      %get3A_678 = arith.constant 13 : i32
      %get3A_679 = arith.index_cast %get3A_678 : i32 to index
      %get3A_680 = arith.constant 112 : index
      %get3A_681 = tpu.vector_load %arg14[%get3A_679, %get3A_680] {strides = array<i32>} : memref<16x128xf32, #tpu.memory_space<vmem>>, vector<16xf32>,
      %add3A_682 = arith.addf %add3A_677, %get3A_681 : vector<16xf32>
      %get3A_683 = arith.constant 14 : i32
      %get3A_684 = arith.index_cast %get3A_683 : i32 to index
      %get3A_685 = arith.constant 112 : index
      %get3A_686 = tpu.vector_load %arg14[%get3A_684, %get3A_685] {strides = array<i32>} : memref<16x128xf32, #tpu.memory_space<vmem>>, vector<16xf32>,
      %add3A_687 = arith.addf %add3A_682, %get3A_686 : vector<16xf32>
      %get3A_688 = arith.constant 15 : i32
      %get3A_689 = arith.index_cast %get3A_688 : i32 to index
      %get3A_690 = arith.constant 112 : index
      %get3A_691 = tpu.vector_load %arg14[%get3A_689, %get3A_690] {strides = array<i32>} : memref<16x128xf32, #tpu.memory_space<vmem>>, vector<16xf32>,
      %add3A_692 = arith.addf %add3A_687, %get3A_691 : vector<16xf32>
      %swap3A_693 = arith.constant 112 : index
      %swap3A_694 = tpu.vector_load %arg13[%swap3A_693] {strides = array<i32>} : memref<128xf32, #tpu.memory_space<vmem>>, vector<16xf32>,
      tpu.vector_store %arg13[%swap3A_693], %add3A_692 {strides = array<i32>} : memref<128xf32, #tpu.memory_space<vmem>>, vector<16xf32>,
      "tpu.region"() ({
        %run_scoped3A = tpu.sem_alloc : memref<!tpu.dma_semaphore, #tpu.memory_space<semaphore_mem>>
        %dma_start3A = arith.constant 0 : i32
        %dma_start3A_695 = tpu.memref_slice %arg5[%arg0, %dma_start3A] : memref<2x128xf32, #tpu.memory_space<hbm>> -> memref<1x128xf32, #tpu.memory_space<hbm>>
        %dma_start3A_696 = tpu.memref_squeeze %dma_start3A_695 : memref<1x128xf32, #tpu.memory_space<hbm>> -> memref<128xf32, #tpu.memory_space<hbm>>
        %dma_start3A_697 = arith.constant 0 : i32
        %dma_start3A_698 = tpu.memref_slice %arg5[%arg0, %dma_start3A_697] : memref<2x128xf32, #tpu.memory_space<hbm>> -> memref<1x128xf32, #tpu.memory_space<hbm>>
        %dma_start3A_699 = tpu.memref_squeeze %dma_start3A_698 : memref<1x128xf32, #tpu.memory_space<hbm>> -> memref<128xf32, #tpu.memory_space<hbm>>
        tpu.enqueue_dma source(%arg13 : memref<128xf32, #tpu.memory_space<vmem>>) target(%dma_start3A_699 : memref<128xf32, #tpu.memory_space<hbm>>) target_semaphore(%run_scoped3A : memref<!tpu.dma_semaphore, #tpu.memory_space<semaphore_mem>>)
        %dma_wait3A = arith.constant 0 : i32
        %dma_wait3A_700 = tpu.memref_slice %arg5[%arg0, %dma_wait3A] : memref<2x128xf32, #tpu.memory_space<hbm>> -> memref<1x128xf32, #tpu.memory_space<hbm>>
        %dma_wait3A_701 = tpu.memref_squeeze %dma_wait3A_700 : memref<1x128xf32, #tpu.memory_space<hbm>> -> memref<128xf32, #tpu.memory_space<hbm>>
        %dma_wait3A_702 = arith.constant 0 : i32
        %dma_wait3A_703 = tpu.memref_slice %arg5[%arg0, %dma_wait3A_702] : memref<2x128xf32, #tpu.memory_space<hbm>> -> memref<1x128xf32, #tpu.memory_space<hbm>>
        %dma_wait3A_704 = tpu.memref_squeeze %dma_wait3A_703 : memref<1x128xf32, #tpu.memory_space<hbm>> -> memref<128xf32, #tpu.memory_space<hbm>>
        tpu.wait_dma2 semaphore(%run_scoped3A : memref<!tpu.dma_semaphore, #tpu.memory_space<semaphore_mem>>) src(%arg13 : memref<128xf32, #tpu.memory_space<vmem>>) dst(%dma_wait3A_704 : memref<128xf32, #tpu.memory_space<hbm>>)
        tpu.yield
      }) : () -> ()
    } else {
    }
    return
  }
}

module attributes {stable_mosaic.version = 14 : i64} {
  func.func @_seg_body(%arg0: i32, %arg1: memref<1x1x1600xi32, #tpu.memory_space<vmem>>, %arg2: memref<1600x128xf32, #tpu.memory_space<vmem>>, %arg3: memref<128x128xf32, #tpu.memory_space<vmem>>, %arg4: memref<128x8xf32, #tpu.memory_space<vmem>>) attributes {dimension_semantics = [#tpu.dimension_semantics<arbitrary>], iteration_bounds = array<i64: 36>, scalar_prefetch = 0 : i64, scratch_operands = 0 : i64, tpu.core_type = #tpu.core_type<tc>, window_params = [{transform_indices = @transform_0, window_bounds = array<i64: 1, 1, 1600>}, {transform_indices = @transform_1, window_bounds = array<i64: 1600, 128>}, {pipeline_mode = #tpu.pipeline_mode<synchronous>, transform_indices = @transform_2, window_bounds = array<i64: 128, 128>}, {pipeline_mode = #tpu.pipeline_mode<synchronous>, transform_indices = @transform_3, window_bounds = array<i64: 128, 8>}]} {
    %get3A = arith.constant 0 : index
    %get3A_0 = arith.constant 0 : index
    %get3A_1 = arith.constant 0 : index
    %get3A_2 = vector.load %arg1[%get3A, %get3A_0, %get3A_1] : memref<1x1x1600xi32, #tpu.memory_space<vmem>>, vector<1x1x1600xi32>
    %get3A_3 = vector.shape_cast %get3A_2 : vector<1x1x1600xi32> to vector<1x1600xi32>
    %iota3A = tpu.iota {dimensions = array<i32: 0>} : vector<128x1600xi32>
    %eq3A = vector.broadcast %get3A_3 : vector<1x1600xi32> to vector<128x1600xi32>
    %eq3A_4 = arith.cmpi eq, %eq3A, %iota3A : vector<128x1600xi32>
    %jit3A = arith.constant 1.000000e+00 : f32
    %jit3A_5 = arith.constant 0.000000e+00 : f32
    %broadcast_in_dim3A = vector.broadcast %jit3A : f32 to vector<128x1600xf32>
    %broadcast_in_dim3A_6 = vector.broadcast %jit3A_5 : f32 to vector<128x1600xf32>
    %select_n3A = arith.select %eq3A_4, %broadcast_in_dim3A, %broadcast_in_dim3A_6 : vector<128x1600xi1>, vector<128x1600xf32>
    %get3A_7 = arith.constant 0 : index
    %get3A_8 = arith.constant 0 : index
    %get3A_9 = vector.load %arg2[%get3A_7, %get3A_8] : memref<1600x128xf32, #tpu.memory_space<vmem>>, vector<1600x128xf32>
    %dot_general3A = arith.constant dense<0.000000e+00> : vector<128x128xf32>
    %dot_general3A_10 = tpu.matmul %select_n3A, %get3A_9, %dot_general3A {dimension_numbers = #tpu.dot_dimension_numbers<[1], [0], [0], [1], [0, 0, 1, 1], [], []>, transpose_lhs_hint = false} : vector<128x1600xf32>, vector<1600x128xf32>, vector<128x128xf32> -> vector<128x128xf32>
    %broadcast_in_dim3A_11 = arith.constant 1.000000e+00 : f32
    %broadcast_in_dim3A_12 = vector.broadcast %broadcast_in_dim3A_11 : f32 to vector<1600x8xf32>
    %dot_general3A_13 = arith.constant dense<0.000000e+00> : vector<128x8xf32>
    %dot_general3A_14 = tpu.matmul %select_n3A, %broadcast_in_dim3A_12, %dot_general3A_13 {dimension_numbers = #tpu.dot_dimension_numbers<[1], [0], [0], [1], [0, 0, 1, 1], [], []>, transpose_lhs_hint = false} : vector<128x1600xf32>, vector<1600x8xf32>, vector<128x8xf32> -> vector<128x8xf32>
    %eq3A_15 = arith.constant 0 : i32
    %eq3A_16 = arith.cmpi eq, %arg0, %eq3A_15 : i32
    %convert_element_type3A = arith.extui %eq3A_16 : i1 to i32
    %cond3A = arith.constant 0 : i32
    %cond3A_17 = arith.cmpi ne, %convert_element_type3A, %cond3A : i32
    scf.if %cond3A_17 {
      %swap3A = arith.constant 0 : index
      %swap3A_22 = arith.constant 0 : index
      %swap3A_23 = vector.load %arg3[%swap3A, %swap3A_22] : memref<128x128xf32, #tpu.memory_space<vmem>>, vector<128x128xf32>
      tpu.vector_store %arg3[%swap3A, %swap3A_22], %dot_general3A_10 {strides = array<i32>} : memref<128x128xf32, #tpu.memory_space<vmem>>, vector<128x128xf32>,
      %swap3A_24 = arith.constant 0 : index
      %swap3A_25 = arith.constant 0 : index
      %swap3A_26 = vector.load %arg4[%swap3A_24, %swap3A_25] : memref<128x8xf32, #tpu.memory_space<vmem>>, vector<128x8xf32>
      tpu.vector_store %arg4[%swap3A_24, %swap3A_25], %dot_general3A_14 {strides = array<i32>} : memref<128x8xf32, #tpu.memory_space<vmem>>, vector<128x8xf32>,
    } else {
    }
    %gt3A = arith.constant 0 : i32
    %gt3A_18 = arith.cmpi sgt, %arg0, %gt3A : i32
    %convert_element_type3A_19 = arith.extui %gt3A_18 : i1 to i32
    %cond3A_20 = arith.constant 0 : i32
    %cond3A_21 = arith.cmpi ne, %convert_element_type3A_19, %cond3A_20 : i32
    scf.if %cond3A_21 {
      %get3A_22 = arith.constant 0 : index
      %get3A_23 = arith.constant 0 : index
      %get3A_24 = vector.load %arg3[%get3A_22, %get3A_23] : memref<128x128xf32, #tpu.memory_space<vmem>>, vector<128x128xf32>
      %add3A = arith.addf %get3A_24, %dot_general3A_10 : vector<128x128xf32>
      %swap3A = arith.constant 0 : index
      %swap3A_25 = arith.constant 0 : index
      %swap3A_26 = vector.load %arg3[%swap3A, %swap3A_25] : memref<128x128xf32, #tpu.memory_space<vmem>>, vector<128x128xf32>
      tpu.vector_store %arg3[%swap3A, %swap3A_25], %add3A {strides = array<i32>} : memref<128x128xf32, #tpu.memory_space<vmem>>, vector<128x128xf32>,
      %get3A_27 = arith.constant 0 : index
      %get3A_28 = arith.constant 0 : index
      %get3A_29 = vector.load %arg4[%get3A_27, %get3A_28] : memref<128x8xf32, #tpu.memory_space<vmem>>, vector<128x8xf32>
      %add3A_30 = arith.addf %get3A_29, %dot_general3A_14 : vector<128x8xf32>
      %swap3A_31 = arith.constant 0 : index
      %swap3A_32 = arith.constant 0 : index
      %swap3A_33 = vector.load %arg4[%swap3A_31, %swap3A_32] : memref<128x8xf32, #tpu.memory_space<vmem>>, vector<128x8xf32>
      tpu.vector_store %arg4[%swap3A_31, %swap3A_32], %add3A_30 {strides = array<i32>} : memref<128x8xf32, #tpu.memory_space<vmem>>, vector<128x8xf32>,
    } else {
    }
    return
  }
  func.func @transform_0(%arg0: i32) -> (i32, i32, i32) {
    %c0_i32 = arith.constant 0 : i32
    %c0_i32_0 = arith.constant 0 : i32
    %c0_i32_1 = arith.constant 0 : i32
    return %arg0, %c0_i32, %c0_i32_0 : i32, i32, i32
  }
  func.func @transform_1(%arg0: i32) -> (i32, i32) {
    %add3A = arith.constant 64 : i32
    %add3A_0 = arith.addi %arg0, %add3A : i32
    %c0_i32 = arith.constant 0 : i32
    %c0_i32_1 = arith.constant 0 : i32
    return %add3A_0, %c0_i32 : i32, i32
  }
  func.func @transform_2(%arg0: i32) -> (i32, i32) {
    %c0_i32 = arith.constant 0 : i32
    %c0_i32_0 = arith.constant 0 : i32
    %c0_i32_1 = arith.constant 0 : i32
    return %c0_i32, %c0_i32_0 : i32, i32
  }
  func.func @transform_3(%arg0: i32) -> (i32, i32) {
    %c0_i32 = arith.constant 0 : i32
    %c0_i32_0 = arith.constant 0 : i32
    %c0_i32_1 = arith.constant 0 : i32
    return %c0_i32, %c0_i32_0 : i32, i32
  }
}

module attributes {stable_mosaic.version = 14 : i64} {
  func.func @_qe_body(%arg0: i32, %arg1: memref<1024x128xf32, #tpu.memory_space<vmem>>, %arg2: memref<128x64xf32, #tpu.memory_space<vmem>>, %arg3: memref<1x64xf32, #tpu.memory_space<vmem>>, %arg4: memref<1024x64xf32, #tpu.memory_space<vmem>>) attributes {dimension_semantics = [#tpu.dimension_semantics<arbitrary>], iteration_bounds = array<i64: 4>, scalar_prefetch = 0 : i64, scratch_operands = 0 : i64, tpu.core_type = #tpu.core_type<tc>, window_params = [{transform_indices = @transform_0, window_bounds = array<i64: 1024, 128>}, {pipeline_mode = #tpu.pipeline_mode<synchronous>, transform_indices = @transform_1, window_bounds = array<i64: 128, 64>}, {pipeline_mode = #tpu.pipeline_mode<synchronous>, transform_indices = @transform_2, window_bounds = array<i64: 1, 64>}, {transform_indices = @transform_3, window_bounds = array<i64: 1024, 64>}]} {
    %get3A = arith.constant 0 : index
    %get3A_0 = arith.constant 0 : index
    %get3A_1 = vector.load %arg1[%get3A, %get3A_0] : memref<1024x128xf32, #tpu.memory_space<vmem>>, vector<1024x128xf32>
    %get3A_2 = arith.constant 0 : index
    %get3A_3 = arith.constant 0 : index
    %get3A_4 = vector.load %arg2[%get3A_2, %get3A_3] : memref<128x64xf32, #tpu.memory_space<vmem>>, vector<128x64xf32>
    %dot_general3A = arith.constant dense<0.000000e+00> : vector<1024x64xf32>
    %dot_general3A_5 = tpu.matmul %get3A_1, %get3A_4, %dot_general3A {dimension_numbers = #tpu.dot_dimension_numbers<[1], [0], [0], [1], [0, 0, 1, 1], [], []>, transpose_lhs_hint = false} : vector<1024x128xf32>, vector<128x64xf32>, vector<1024x64xf32> -> vector<1024x64xf32>
    %get3A_6 = arith.constant 0 : index
    %get3A_7 = arith.constant 0 : index
    %get3A_8 = vector.load %arg3[%get3A_6, %get3A_7] : memref<1x64xf32, #tpu.memory_space<vmem>>, vector<1x64xf32>
    %add3A = vector.broadcast %get3A_8 : vector<1x64xf32> to vector<1024x64xf32>
    %add3A_9 = arith.addf %dot_general3A_5, %add3A : vector<1024x64xf32>
    %swap3A = arith.constant 0 : index
    %swap3A_10 = arith.constant 0 : index
    %swap3A_11 = vector.load %arg4[%swap3A, %swap3A_10] : memref<1024x64xf32, #tpu.memory_space<vmem>>, vector<1024x64xf32>
    tpu.vector_store %arg4[%swap3A, %swap3A_10], %add3A_9 {strides = array<i32>} : memref<1024x64xf32, #tpu.memory_space<vmem>>, vector<1024x64xf32>,
    return
  }
  func.func @transform_0(%arg0: i32) -> (i32, i32) {
    %c0_i32 = arith.constant 0 : i32
    %c0_i32_0 = arith.constant 0 : i32
    return %arg0, %c0_i32 : i32, i32
  }
  func.func @transform_1(%arg0: i32) -> (i32, i32) {
    %c0_i32 = arith.constant 0 : i32
    %c0_i32_0 = arith.constant 0 : i32
    %c0_i32_1 = arith.constant 0 : i32
    return %c0_i32, %c0_i32_0 : i32, i32
  }
  func.func @transform_2(%arg0: i32) -> (i32, i32) {
    %c0_i32 = arith.constant 0 : i32
    %c0_i32_0 = arith.constant 0 : i32
    %c0_i32_1 = arith.constant 0 : i32
    return %c0_i32, %c0_i32_0 : i32, i32
  }
  func.func @transform_3(%arg0: i32) -> (i32, i32) {
    %c0_i32 = arith.constant 0 : i32
    %c0_i32_0 = arith.constant 0 : i32
    return %arg0, %c0_i32 : i32, i32
  }
}

module attributes {stable_mosaic.version = 14 : i64} {
  func.func @_tc_body(%arg0: i32, %arg1: memref<2x128x128xf32, #tpu.memory_space<vmem>>, %arg2: memref<2x128xf32, #tpu.memory_space<vmem>>, %arg3: memref<128x128xf32, #tpu.memory_space<vmem>>, %arg4: memref<128x8xf32, #tpu.memory_space<vmem>>, %arg5: memref<128x64xf32, #tpu.memory_space<vmem>>, %arg6: memref<1x64xf32, #tpu.memory_space<vmem>>, %arg7: memref<1024x64xf32, #tpu.memory_space<vmem>>, %arg8: memref<1024x128xf32, #tpu.memory_space<vmem>>, %arg9: memref<1024x128xf32, #tpu.memory_space<vmem>>) attributes {dimension_semantics = [#tpu.dimension_semantics<arbitrary>], iteration_bounds = array<i64: 4>, scalar_prefetch = 0 : i64, scratch_operands = 0 : i64, tpu.core_type = #tpu.core_type<tc>, window_params = [{pipeline_mode = #tpu.pipeline_mode<synchronous>, transform_indices = @transform_0, window_bounds = array<i64: 2, 128, 128>}, {pipeline_mode = #tpu.pipeline_mode<synchronous>, transform_indices = @transform_1, window_bounds = array<i64: 2, 128>}, {pipeline_mode = #tpu.pipeline_mode<synchronous>, transform_indices = @transform_2, window_bounds = array<i64: 128, 128>}, {pipeline_mode = #tpu.pipeline_mode<synchronous>, transform_indices = @transform_3, window_bounds = array<i64: 128, 8>}, {pipeline_mode = #tpu.pipeline_mode<synchronous>, transform_indices = @transform_4, window_bounds = array<i64: 128, 64>}, {pipeline_mode = #tpu.pipeline_mode<synchronous>, transform_indices = @transform_5, window_bounds = array<i64: 1, 64>}, {transform_indices = @transform_6, window_bounds = array<i64: 1024, 64>}, {transform_indices = @transform_7, window_bounds = array<i64: 1024, 128>}, {transform_indices = @transform_8, window_bounds = array<i64: 1024, 128>}]} {
    %get3A = arith.constant 0 : index
    %get3A_0 = arith.constant 0 : index
    %get3A_1 = arith.constant 0 : index
    %get3A_2 = vector.load %arg1[%get3A, %get3A_0, %get3A_1] : memref<2x128x128xf32, #tpu.memory_space<vmem>>, vector<1x128x128xf32>
    %get3A_3 = vector.shape_cast %get3A_2 : vector<1x128x128xf32> to vector<128x128xf32>
    %get3A_4 = arith.constant 1 : index
    %get3A_5 = arith.constant 0 : index
    %get3A_6 = arith.constant 0 : index
    %get3A_7 = vector.load %arg1[%get3A_4, %get3A_5, %get3A_6] : memref<2x128x128xf32, #tpu.memory_space<vmem>>, vector<1x128x128xf32>
    %get3A_8 = vector.shape_cast %get3A_7 : vector<1x128x128xf32> to vector<128x128xf32>
    %add3A = arith.addf %get3A_3, %get3A_8 : vector<128x128xf32>
    %get3A_9 = arith.constant 0 : index
    %get3A_10 = arith.constant 0 : index
    %get3A_11 = vector.load %arg3[%get3A_9, %get3A_10] : memref<128x128xf32, #tpu.memory_space<vmem>>, vector<128x128xf32>
    %add3A_12 = arith.addf %add3A, %get3A_11 : vector<128x128xf32>
    %get3A_13 = arith.constant 0 : index
    %get3A_14 = arith.constant 0 : index
    %get3A_15 = vector.load %arg2[%get3A_13, %get3A_14] : memref<2x128xf32, #tpu.memory_space<vmem>>, vector<1x128xf32>
    %get3A_16 = arith.constant 1 : index
    %get3A_17 = arith.constant 0 : index
    %get3A_18 = vector.load %arg2[%get3A_16, %get3A_17] : memref<2x128xf32, #tpu.memory_space<vmem>>, vector<1x128xf32>
    %add3A_19 = arith.addf %get3A_15, %get3A_18 : vector<1x128xf32>
    %iota3A = tpu.iota {dimensions = array<i32: 0>} : vector<128x128xi32>
    %iota3A_20 = tpu.iota {dimensions = array<i32: 1>} : vector<128x128xi32>
    %eq3A = arith.cmpi eq, %iota3A, %iota3A_20 : vector<128x128xi32>
    %broadcast_in_dim3A = vector.shape_cast %add3A_19 : vector<1x128xf32> to vector<1x128xf32>
    %broadcast_in_dim3A_21 = vector.broadcast %broadcast_in_dim3A : vector<1x128xf32> to vector<128x128xf32>
    %jit3A = arith.constant 0.000000e+00 : f32
    %broadcast_in_dim3A_22 = vector.broadcast %jit3A : f32 to vector<128x128xf32>
    %select_n3A = arith.select %eq3A, %broadcast_in_dim3A_21, %broadcast_in_dim3A_22 : vector<128x128xi1>, vector<128x128xf32>
    %reduce_sum3A = arith.constant dense<0.000000e+00> : vector<128xf32>
    %reduce_sum3A_23 = vector.multi_reduction <add>, %select_n3A, %reduce_sum3A [1] : vector<128x128xf32> to vector<128xf32>
    %broadcast_in_dim3A_24 = vector.shape_cast %reduce_sum3A_23 : vector<128xf32> to vector<128x1xf32>
    %get3A_25 = arith.constant 0 : index
    %get3A_26 = arith.constant 0 : index
    %get3A_27 = vector.load %arg4[%get3A_25, %get3A_26] : memref<128x8xf32, #tpu.memory_space<vmem>>, vector<128x1xf32>
    %add3A_28 = arith.addf %broadcast_in_dim3A_24, %get3A_27 : vector<128x1xf32>
    %get3A_29 = arith.constant 0 : index
    %get3A_30 = arith.constant 0 : index
    %get3A_31 = vector.load %arg5[%get3A_29, %get3A_30] : memref<128x64xf32, #tpu.memory_space<vmem>>, vector<128x64xf32>
    %get3A_32 = arith.constant 0 : index
    %get3A_33 = arith.constant 0 : index
    %get3A_34 = vector.load %arg6[%get3A_32, %get3A_33] : memref<1x64xf32, #tpu.memory_space<vmem>>, vector<1x64xf32>
    %dot_general3A = arith.constant dense<0.000000e+00> : vector<128x64xf32>
    %dot_general3A_35 = tpu.matmul %add3A_12, %get3A_31, %dot_general3A {dimension_numbers = #tpu.dot_dimension_numbers<[1], [0], [0], [1], [0, 0, 1, 1], [], []>, transpose_lhs_hint = false} : vector<128x128xf32>, vector<128x64xf32>, vector<128x64xf32> -> vector<128x64xf32>
    %mul3A = vector.broadcast %add3A_28 : vector<128x1xf32> to vector<128x64xf32>
    %mul3A_36 = vector.broadcast %get3A_34 : vector<1x64xf32> to vector<128x64xf32>
    %mul3A_37 = arith.mulf %mul3A, %mul3A_36 : vector<128x64xf32>
    %add3A_38 = arith.addf %dot_general3A_35, %mul3A_37 : vector<128x64xf32>
    %max3A = arith.constant 1.000000e+00 : f32
    %max3A_39 = vector.broadcast %max3A : f32 to vector<128x1xf32>
    %max3A_40 = arith.maximumf %add3A_28, %max3A_39 : vector<128x1xf32>
    %div3A = vector.broadcast %max3A_40 : vector<128x1xf32> to vector<128x64xf32>
    %div3A_41 = arith.divf %add3A_38, %div3A : vector<128x64xf32>
    %get3A_42 = arith.constant 0 : index
    %get3A_43 = arith.constant 0 : index
    %get3A_44 = vector.load %arg7[%get3A_42, %get3A_43] : memref<1024x64xf32, #tpu.memory_space<vmem>>, vector<1024x64xf32>
    %mul3A_45 = arith.mulf %get3A_44, %get3A_44 : vector<1024x64xf32>
    %reduce_sum3A_46 = arith.constant dense<0.000000e+00> : vector<1024xf32>
    %reduce_sum3A_47 = vector.multi_reduction <add>, %mul3A_45, %reduce_sum3A_46 [1] : vector<1024x64xf32> to vector<1024xf32>
    %broadcast_in_dim3A_48 = vector.shape_cast %reduce_sum3A_47 : vector<1024xf32> to vector<1024x1xf32>
    %mul3A_49 = arith.mulf %div3A_41, %div3A_41 : vector<128x64xf32>
    %reduce_sum3A_50 = arith.constant dense<0.000000e+00> : vector<128xf32>
    %reduce_sum3A_51 = vector.multi_reduction <add>, %mul3A_49, %reduce_sum3A_50 [1] : vector<128x64xf32> to vector<128xf32>
    %broadcast_in_dim3A_52 = vector.shape_cast %reduce_sum3A_51 : vector<128xf32> to vector<1x128xf32>
    %transpose3A = tpu.transpose %div3A_41, [1, 0] : vector<128x64xf32> -> vector<64x128xf32>
    %dot_general3A_53 = arith.constant dense<0.000000e+00> : vector<1024x128xf32>
    %dot_general3A_54 = tpu.matmul %get3A_44, %transpose3A, %dot_general3A_53 {dimension_numbers = #tpu.dot_dimension_numbers<[1], [0], [0], [1], [0, 0, 1, 1], [], []>, transpose_lhs_hint = false} : vector<1024x64xf32>, vector<64x128xf32>, vector<1024x128xf32> -> vector<1024x128xf32>
    %add3A_55 = vector.broadcast %broadcast_in_dim3A_48 : vector<1024x1xf32> to vector<1024x128xf32>
    %add3A_56 = vector.broadcast %broadcast_in_dim3A_52 : vector<1x128xf32> to vector<1024x128xf32>
    %add3A_57 = arith.addf %add3A_55, %add3A_56 : vector<1024x128xf32>
    %mul3A_58 = arith.constant 2.000000e+00 : f32
    %mul3A_59 = vector.broadcast %mul3A_58 : f32 to vector<1024x128xf32>
    %mul3A_60 = arith.mulf %mul3A_59, %dot_general3A_54 : vector<1024x128xf32>
    %sub3A = arith.subf %add3A_57, %mul3A_60 : vector<1024x128xf32>
    %swap3A = arith.constant 0 : index
    %swap3A_61 = arith.constant 0 : index
    %swap3A_62 = vector.load %arg9[%swap3A, %swap3A_61] : memref<1024x128xf32, #tpu.memory_space<vmem>>, vector<1024x128xf32>
    tpu.vector_store %arg9[%swap3A, %swap3A_61], %sub3A {strides = array<i32>} : memref<1024x128xf32, #tpu.memory_space<vmem>>, vector<1024x128xf32>,
    %neg3A = arith.constant 0.000000e+00 : f32
    %neg3A_63 = vector.broadcast %neg3A : f32 to vector<1024x128xf32>
    %neg3A_64 = arith.subf %neg3A_63, %sub3A : vector<1024x128xf32>
    %reduce_max3A = arith.constant dense<0xFF800000> : vector<1024xf32>
    %reduce_max3A_65 = vector.multi_reduction <maximumf>, %neg3A_64, %reduce_max3A [1] : vector<1024x128xf32> to vector<1024xf32>
    %broadcast_in_dim3A_66 = vector.shape_cast %reduce_max3A_65 : vector<1024xf32> to vector<1024x1xf32>
    %sub3A_67 = vector.broadcast %broadcast_in_dim3A_66 : vector<1024x1xf32> to vector<1024x128xf32>
    %sub3A_68 = arith.subf %neg3A_64, %sub3A_67 : vector<1024x128xf32>
    %exp3A = math.exp %sub3A_68 : vector<1024x128xf32>
    %reduce_sum3A_69 = arith.constant dense<0.000000e+00> : vector<1024xf32>
    %reduce_sum3A_70 = vector.multi_reduction <add>, %exp3A, %reduce_sum3A_69 [1] : vector<1024x128xf32> to vector<1024xf32>
    %broadcast_in_dim3A_71 = vector.shape_cast %reduce_sum3A_70 : vector<1024xf32> to vector<1024x1xf32>
    %div3A_72 = vector.broadcast %broadcast_in_dim3A_71 : vector<1024x1xf32> to vector<1024x128xf32>
    %div3A_73 = arith.divf %exp3A, %div3A_72 : vector<1024x128xf32>
    %swap3A_74 = arith.constant 0 : index
    %swap3A_75 = arith.constant 0 : index
    %swap3A_76 = vector.load %arg8[%swap3A_74, %swap3A_75] : memref<1024x128xf32, #tpu.memory_space<vmem>>, vector<1024x128xf32>
    tpu.vector_store %arg8[%swap3A_74, %swap3A_75], %div3A_73 {strides = array<i32>} : memref<1024x128xf32, #tpu.memory_space<vmem>>, vector<1024x128xf32>,
    return
  }
  func.func @transform_0(%arg0: i32) -> (i32, i32, i32) {
    %c0_i32 = arith.constant 0 : i32
    %c0_i32_0 = arith.constant 0 : i32
    %c0_i32_1 = arith.constant 0 : i32
    %c0_i32_2 = arith.constant 0 : i32
    return %c0_i32, %c0_i32_0, %c0_i32_1 : i32, i32, i32
  }
  func.func @transform_1(%arg0: i32) -> (i32, i32) {
    %c0_i32 = arith.constant 0 : i32
    %c0_i32_0 = arith.constant 0 : i32
    %c0_i32_1 = arith.constant 0 : i32
    return %c0_i32, %c0_i32_0 : i32, i32
  }
  func.func @transform_2(%arg0: i32) -> (i32, i32) {
    %c0_i32 = arith.constant 0 : i32
    %c0_i32_0 = arith.constant 0 : i32
    %c0_i32_1 = arith.constant 0 : i32
    return %c0_i32, %c0_i32_0 : i32, i32
  }
  func.func @transform_3(%arg0: i32) -> (i32, i32) {
    %c0_i32 = arith.constant 0 : i32
    %c0_i32_0 = arith.constant 0 : i32
    %c0_i32_1 = arith.constant 0 : i32
    return %c0_i32, %c0_i32_0 : i32, i32
  }
  func.func @transform_4(%arg0: i32) -> (i32, i32) {
    %c0_i32 = arith.constant 0 : i32
    %c0_i32_0 = arith.constant 0 : i32
    %c0_i32_1 = arith.constant 0 : i32
    return %c0_i32, %c0_i32_0 : i32, i32
  }
  func.func @transform_5(%arg0: i32) -> (i32, i32) {
    %c0_i32 = arith.constant 0 : i32
    %c0_i32_0 = arith.constant 0 : i32
    %c0_i32_1 = arith.constant 0 : i32
    return %c0_i32, %c0_i32_0 : i32, i32
  }
  func.func @transform_6(%arg0: i32) -> (i32, i32) {
    %c0_i32 = arith.constant 0 : i32
    %c0_i32_0 = arith.constant 0 : i32
    return %arg0, %c0_i32 : i32, i32
  }
  func.func @transform_7(%arg0: i32) -> (i32, i32) {
    %c0_i32 = arith.constant 0 : i32
    %c0_i32_0 = arith.constant 0 : i32
    return %arg0, %c0_i32 : i32, i32
  }
  func.func @transform_8(%arg0: i32) -> (i32, i32) {
    %c0_i32 = arith.constant 0 : i32
    %c0_i32_0 = arith.constant 0 : i32
    return %arg0, %c0_i32 : i32, i32
  }
}

</mosaic_0001>

<sc_bundles>
// kernel: kernel.6.cloned.1.call-start
scs
__scs_entry_jumppad:
0x0: {  	(pc) =	sbr.rel $0x88, $3  }
0x1: {  	(tag) =	ssettag $0x0;
	lr =	simm.s32 $0x1  }
0x2: {  	[smem:$0x3F9C] =	sst lr;
	_ =	strace $0xD0000000  }
0x3: {  	_ = 	snop  }
0x4: {  	_ = 	snop  }
0x5: {  	_ = 	snop  }
0x6: {  	_ = 	snop  }
0x7: {  	_ = 	snop  }
__scs_overlays_trampoline_lowered:
0x8: {  	[smem:$0x3FAB] =	sst s0  }
0x9: {  	[smem:$0x3FAC] =	sst s1  }
0xa: {  	[smem:$0x3FAD] =	sst s2  }
0xb: {  	[smem:$0x3FAE] =	sst s3  }
0xc: {  	[smem:$0x3FAF] =	sst s4  }
0xd: {  	[smem:$0x3FB0] =	sst s5  }
0xe: {  	[smem:$0x3FB1] =	sst s6  }
0xf: {  	[smem:$0x3FB2] =	sst s7  }
0x10: {  	[smem:$0x3FB3] =	sst s8  }
0x11: {  	[smem:$0x3FB4] =	sst s9;
	s0 =	simm.s32 @!p0 $0x0  }
0x12: {  	s1 =	sld [smem:$0x3F9A];
	s0 =	simm.s32 @p0 $0x1  }
0x13: {  	[smem:$0x3FB5] =	sst s0;
	s0 =	simm.s32 @!p1 $0x0  }
0x14: {  	s2 =	sld [smem:$0x3F99];
	s0 =	simm.s32 @p1 $0x1  }
0x15: {  	[smem:$0x3FB6] =	sst s0;
	s0 =	simm.s32 @!p2 $0x0  }
0x16: {  	s3 =	sld [smem:$0x3FDB];
	s0 =	simm.s32 @p2 $0x1  }
0x17: {  	s4 =	simm.s32 $0x1BF5;
	[smem:$0x3FB8] =	sst s0  }
0x18: {  	s0 =	sld [smem:$0x3F9B];
	_ =	swait.ge [sflag:s4], $0x0  }
0x19: {  	s7 =	sld [smem:$0x3F9C]  }
0x1a: {  	s8 =	sadd.s32 $0xFFFFE003, lr  }
0x1b: {  	s9 =	sadd.s32 $0xFFFFFEF7, lr;
	s5 =	simm.s32 $0xFFFFFFFF;
	p2 =	slt.u32 s8, $0xFFFFF086  }
0x1c: {  	p1 =	slt.u32 s9, $0xF7A;
	s5 =	simm.s32 @!p2 $0x0  }
0x1d: {  	s5 =	simm.s32 @p1 $0x1;
	p0 =	seq.s32 s7, s2  }
0x1e: {  	s7 =	smul.u32 @!p0 $0xF7A, s2;
	p2 =	seq.s32 @!p0 s5, $0x0  }
0x1f: {  	s9 =	smul.u32 $0xF7A, s1;
	s8 =	simm.s32 @!p0 $0x1BF5;
	p2 =	por !p2, p0  }
0x20: {  	[sflag:s8] =	ssyncset.s32 @!p0 $0xFFFFF086;
	s6 =	sadd.s32 @!p0 s3, s7;
	s7 =	simm.s32 @!p0 $0x108  }
0x21: {  	s3 =	sadd.s32 s3, s9;
	s6 =	sadd.s32 @!p0 $0x88, s6;
	s7 =	simm.s32 @p2 $0x1082  }
0x22: {  	[simem:s7], [sflag:s8] =	dma.local @!p0 [hbm:s6], $0xF7A  }
0x23: {  	s9 =	sor.u32 $0xD0000000, s2;
	s6 =	simm.s32 $0x108;
	_ =	swait.ge @!p0 [sflag:s8], $0x0  }
0x24: {  	s3 =	sadd.s32 $0x88, s3;
	s6 =	simm.s32 @!p1 $0x1082;
	[sflag:s4] =	ssyncset.s32 $0xFFFFF086  }
0x25: {  	[simem:s6], [sflag:s4] =	dma.local [hbm:s3], $0xF7A  }
0x26: {  	[smem:$0x3F9C] =	sst s1;
	(tag) =	ssettag s2;
	_ =	strace s9  }
0x27: {  	s1 =	sld [smem:$0x3FAC]  }
0x28: {  	s2 =	sld [smem:$0x3FAD]  }
0x29: {  	s4 =	sld [smem:$0x3FAF]  }
0x2a: {  	p0 =	seq.s32 s5, $0x0;
	s5 =	sld [smem:$0x3FB0]  }
0x2b: {  	s6 =	sld [smem:$0x3FB1]  }
0x2c: {  	s7 =	sld [smem:$0x3FB2]  }
0x2d: {  	s3 =	simm.s32 $0x108;
	s8 =	sld [smem:$0x3FB3]  }
0x2e: {  	s3 =	simm.s32 @!p0 $0x1082;
	s9 =	sld [smem:$0x3FB4]  }
0x2f: {  	lr =	sadd.s32 s0, s3;
	s0 =	sld [smem:$0x3FAB]  }
0x30: {  	s3 =	sld [smem:$0x3FAE]  }
0x31: {  	[smem:$0x3FB7] =	sst s10  }
0x32: {  	s10 =	sld [smem:$0x3FB5];
	_ =	sdelay $0x3  }
0x33: {  	p0 =	seq.s32 s10, $0x1;
	s10 =	sld [smem:$0x3FB7];
	_ =	sdelay $0x3  }
0x34: {  	[smem:$0x3FB7] =	sst s10  }
0x35: {  	s10 =	sld [smem:$0x3FB6];
	_ =	sdelay $0x3  }
0x36: {  	p1 =	seq.s32 s10, $0x1;
	s10 =	sld [smem:$0x3FB7];
	_ =	sdelay $0x3  }
0x37: {  	[smem:$0x3FB7] =	sst s10  }
0x38: {  	s10 =	sld [smem:$0x3FB8]  }
0x39: {  	_ = 	snop;
	(pc) =	sbr.ind lr, $3  }
0x3a: {  	_ = 	snop  }
0x3b: {  	_ = 	snop  }
0x3c: {  	p2 =	seq.s32 s10, $0x1;
	s10 =	sld [smem:$0x3FB7]  }
0x3d: {  	_ =	shalt  }
0x3e: {  	_ =	shalt  }
0x3f: {  	_ =	shalt  }
0x40: {  	_ =	shalt  }
0x41: {  	_ =	shalt  }
0x42: {  	_ =	shalt  }
0x43: {  	_ =	shalt  }
0x44: {  	_ =	shalt  }
0x45: {  	_ =	shalt  }
0x46: {  	_ =	shalt  }
0x47: {  	_ =	shalt  }
0x48: {  	_ =	shalt  }
0x49: {  	_ =	shalt  }
0x4a: {  	_ =	shalt  }
0x4b: {  	_ =	shalt  }
0x4c: {  	_ =	shalt  }
0x4d: {  	_ =	shalt  }
0x4e: {  	_ =	shalt  }
0x4f: {  	_ =	shalt  }
0x50: {  	_ =	shalt  }
0x51: {  	_ =	shalt  }
0x52: {  	_ =	shalt  }
0x53: {  	_ =	shalt  }
0x54: {  	_ =	shalt  }
0x55: {  	_ =	shalt  }
0x56: {  	_ =	shalt  }
0x57: {  	_ =	shalt  }
0x58: {  	_ =	shalt  }
0x59: {  	_ =	shalt  }
0x5a: {  	_ =	shalt  }
0x5b: {  	_ =	shalt  }
0x5c: {  	_ =	shalt  }
0x5d: {  	_ =	shalt  }
0x5e: {  	_ =	shalt  }
0x5f: {  	_ =	shalt  }
0x60: {  	_ =	shalt  }
0x61: {  	_ =	shalt  }
0x62: {  	_ =	shalt  }
0x63: {  	_ =	shalt  }
0x64: {  	_ =	shalt  }
0x65: {  	_ =	shalt  }
0x66: {  	_ =	shalt  }
0x67: {  	_ =	shalt  }
0x68: {  	_ =	shalt  }
0x69: {  	_ =	shalt  }
0x6a: {  	_ =	shalt  }
0x6b: {  	_ =	shalt  }
0x6c: {  	_ =	shalt  }
0x6d: {  	_ =	shalt  }
0x6e: {  	_ =	shalt  }
0x6f: {  	_ =	shalt  }
0x70: {  	_ =	shalt  }
0x71: {  	_ =	shalt  }
0x72: {  	_ =	shalt  }
0x73: {  	_ =	shalt  }
0x74: {  	_ =	shalt  }
0x75: {  	_ =	shalt  }
0x76: {  	_ =	shalt  }
0x77: {  	_ =	shalt  }
0x78: {  	_ =	shalt  }
0x79: {  	_ =	shalt  }
0x7a: {  	_ =	shalt  }
0x7b: {  	_ =	shalt  }
0x7c: {  	_ =	shalt  }
0x7d: {  	_ =	shalt  }
0x7e: {  	_ =	shalt  }
0x7f: {  	_ =	shalt  }
0x80: {  	_ =	shalt  }
0x81: {  	_ =	shalt  }
0x82: {  	_ =	shalt  }
0x83: {  	_ =	shalt  }
0x84: {  	_ =	shalt  }
0x85: {  	_ =	shalt  }
0x86: {  	_ =	shalt  }
0x87: {  	_ =	shalt  }
.Lfunc_end0:
.L_simem_size_0:
called_computation_lowered:
.L_overlay_start_0:
0x88: {  	s2 =	sld [smem:$0x3FD9]  }
0x89: {  	s3 =	sld [smem:$0x3FFE];
	_ =	sdelay $0x1  }
0x8a: {  	s1 =	srdreg.scid  }
0x8b: {  	s0 =	sand.u32 $0x1, s1  }
0x8c: {  	s15 =	sshll.u32 s0, $0xA;
	s2 =	sadd.s32 s3, s2  }
0x8d: {  	s2 =	sadd.s32 s2, s15  }
0x8e: {  	[smem:$0x3FC3] =	sst s2  }
0x8f: {  	_ = 	snop  }
0x90: {  	s2 =	sld [smem:$0x3FD0];
	_ =	sdelay $0x1  }
0x91: {  	s16 =	sld [smem:$0x3FC9]  }
0x92: {  	s5 =	simm.s32 $0xA;
	s6 =	simm.s32 $0x10;
	s4 =	sld [smem:$0x3FC8]  }
0x93: {  	[smem:s6], [sflag:s5] =	dma.local [hbm:s2], $0x1  }
0x94: {  	_ =	swait.eq [sflag:s5], $0x1  }
0x95: {  	[sflag:s5] =	ssyncset.done $0x0  }
0x96: {  	s17 =	sld [smem:$0x10];
	[sflag:s5] =	ssyncadd.s32 $0xFFFFFFFF  }
0x97: {  	s18 =	sld [smem:$0x12];
	(tm) =	ssettm $0x1  }
0x98: {  	s19 =	sld [smem:$0x3FFB];
	_ =	sdelay $0x3  }
0x99: {  	_ =	strace s19  }
0x9a: {  	s6 =	sld [smem:$0x3FFC];
	_ =	sdelay $0x3  }
0x9b: {  	_ =	strace s6  }
0x9c: {  	s6 =	sld [smem:$0x3FFD];
	_ =	sdelay $0x3  }
0x9d: {  	_ =	strace s6  }
0x9e: {  	_ =	strace $0x8FFFFFFF  }
0x9f: {  	s20 =	sld [smem:$0x3FDB];
	_ =	sdelay $0x1  }
0xa0: {  	s7 =	simm.s32 $_scs_section_size  }
0xa1: {  	s8 =	simm.s32 $_size__tile_overlayer_lowered;
	s9 =	simm.s32 $_tile_overlayer_lowered  }
0xa2: {  	s23 =	simm.s32 $0x1BFF;
	s22 =	sshll.u32 s9, $0x1;
	s6 =	sadd.s32 s7, s20  }
0xa3: {  	s10 =	simm.s32 $0x0;
	s21 =	sshll.u32 s8, $0x1;
	s8 =	sadd.s32 s22, s6  }
0xa4: {  	[timem:s10], [sflag:s23] =	dma.local [hbm:s8], s21  }
0xa5: {  	_ =	swait.ge [sflag:s23], s21  }
0xa6: {  	s7 =	ssub.s32 $0x0, s21;
	[sflag:s23] =	ssyncset.done $0x0  }
0xa7: {  	[sflag:s23] =	ssyncadd.s32 s7;
	_ =	sdelay $0x1  }
0xa8: {  	s24 =	simm.s32 $0x1B8B  }
0xa9: {  	_ =	swait.ge [sflag:s24], $0x1  }
0xaa: {  	[sflag:s24] =	ssyncset.done $0x0  }
0xab: {  	s25 =	simm.s32 $0x1B8E;
	[sflag:s24] =	ssyncadd.s32 $0xFFFFFFFF  }
0xac: {  	s26 =	simm.s32 $execute0_lowered;
	[smem:$0x3FD2] =	sst s25  }
0xad: {  	s7 =	sshll.u32 s26, $0x1;
	_ =	strace $0x80000046;
	[dreg:$0x1] =	wrdreg $0xFFFFFFFF  }
0xae: {  	s28 =	simm.s32 $_size_execute0_lowered;
	s6 =	sadd.s32 s6, s7;
	[dreg:$0x0] =	wrdreg $0x0  }
0xaf: {  	s7 =	sshll.u32 s28, $0x1;
	[dreg:$0x2] =	wrdreg s6  }
0xb0: {  	[dreg:$0x3] =	wrdreg s7  }
0xb1: {  	[dreg:$0x4] =	wrdreg $0xC0  }
0xb2: {  	_ =	task [dreg:s10], $0x5FFFF  }
0xb3: {  	[dreg:$0x1] =	wrdreg $0xFFFFFFFF  }
0xb4: {  	[dreg:$0x0] =	wrdreg $0x60  }
0xb5: {  	[dreg:$0x2] =	wrdreg s16  }
0xb6: {  	[dreg:$0x3] =	wrdreg s4  }
0xb7: {  	[dreg:$0x4] =	wrdreg s18  }
0xb8: {  	[dreg:$0x5] =	wrdreg s17  }
0xb9: {  	[dreg:$0x6] =	wrdreg $0x10E800  }
0xba: {  	[dreg:$0x7] =	wrdreg $0x112800  }
0xbb: {  	[dreg:$0x8] =	wrdreg $0x9  }
0xbc: {  	_ =	task.clear_ibuf [dreg:s10], $0x9FFFF;
	_ =	strace $0x90000046  }
0xbd: {  	s29 =	simm.s32 $0x9;
	_ =	strace $0x80000048  }
0xbe: {  	_ =	swait.ge [sflag:s29], $0x1  }
0xbf: {  	[sflag:s29] =	ssyncadd.s32 $0xFFFFFFFF  }
0xc0: {  	_ =	strace $0x90000048  }
0xc1: {  	_ =	sfence  }
0xc2: {  	s30 =	sld [smem:$0x0];
	_ =	sdelay $0x2  }
0xc3: {  	s31 =	sshll.u32 s1, $0xD;
	s1 =	sshrl.u32 s1, $0x2  }
0xc4: {  	s3 =	sand.u32 $0x4000, s31;
	s1 =	sadd.s32 s1, s30  }
0xc5: {  	s0 =	sor.u32 s3, s0;
	s1 =	sshll.u32 s1, $0x11  }
0xc6: {  	s0 =	sor.u32 s1, s0  }
0xc7: {  	s0 =	sadd.s32 $0x8F2B, s0  }
0xc8: {  	[sflag:s0] =	ssyncadd.remote.s32 $0x1  }
0xc9: {  	_ =	sfence.sel $0xFFFF  }
0xca: {  	[dreg:$0x0] =	wrdreg $0xFFFFFFFF;
	(pc) =	sbr.abs _section_cstart, $3  }
0xcb: {  	[dreg:$0x1] =	wrdreg $0xFFFFFFFF  }
0xcc: {  	_ =	task.clear_ibuf [dreg:s10], $0x2FFFF;
	_ =	strace $0x9FFFFFFF  }
0xcd: {  	(tm) =	ssettm $0x7FFFFFFF  }
tec
execute0_lowered:
.L_overlay_start_1:
0x0: {  	(tag) =	ssettag $0x1  }
0x1: {  	s0 =	rddreg [dreg:$0x0]  }
0x2: {  	s2 =	rddreg [dreg:$0x1]  }
0x3: {  	s14 =	rddreg [dreg:$0x2]  }
0x4: {  	s15 =	rddreg [dreg:$0x3]  }
0x5: {  	s1 =	rddreg [dreg:$0x4]  }
0x6: {  	s17 =	rddreg [dreg:$0x5];
	s3 =	simm.s32 $0x0;
	s4 =	srdreg.scid  }
0x7: {  	s18 =	stileid.u32;
	s20 =	simm.s32 $0x3;
	s30 =	simm.s32 $0x0  }
0x8: {  	[smem:$0x7FF] =	sst s3;
	s4 =	sand.u32 $0x1, s4;
	s5 =	sshll.u32 s18, $0x1  }
0x9: {  	s9 =	sshll.u32 s18, $0xA;
	s12 =	sadd.s32 $0x10, s2;
	s23 =	sshll.u32 s18, $0x7  }
0xa: {  	s26 =	sshll.u32 s18, $0xD;
	s28 =	sshll.u32 s18, $0x6;
	p0 =	sne.s32 s18, $0x0  }
0xb: {  	_ =	strace $0x80000047;
	s6 =	ssub.s32 $0x2, s4;
	s8 =	sor.u32 s4, s5  }
0xc: {  	s24 =	sshll.u32 s4, $0xB;
	s19 =	sshll.u32 s4, $0x4;
	s29 =	sshll.u32 s4, $0xC  }
0xd: {  	s31 =	sshll.u32 s4, $0x5;
	s7 =	sshrl.u32 s6, $0x1;
	s21 =	sshll.u32 s8, $0xC  }
0xe: {  	s22 =	sshll.u32 s8, $0x5;
	s11 =	sor.u32 $0x20, s8;
	s14 =	sadd.s32 s14, s24  }
0xf: {  	s25 =	sadd.s32 s15, s19;
	s24 =	simm.s32 $0x10100;
	s16 =	ssub.s32 s6, s7  }
0x10: {  	s6 =	sadd.s32 s9, s1;
	s7 =	sadd.s32 s0, s21;
	s8 =	sadd.s32 s2, s22  }
0x11: {  	s10 =	sshll.u32 s11, $0xC;
	s9 =	sadd.s32 s22, s12;
	[dreg:$0x7] =	wrdreg s14  }
0x12: {  	s13 =	sshll.u32 s11, $0x5;
	[dreg:$0x8] =	wrdreg s25;
	s21 =	simm.s32 $0x10000  }
.Ltmp0:
0x13: {  	s22 =	simm.s32 $0x10080;
	s25 =	simm.s32 $0x10180;
	(pc) =	sbr.rel .LBB2_1-.Ltmp0, $4  }
0x14: {  	s10 =	sadd.s32 s0, s10;
	s11 =	sadd.s32 s2, s13;
	s12 =	sadd.s32 s13, s12  }
0x15: {  	s13 =	sadd.s32 s23, s17;
	s0 =	sadd.s32 s26, s0;
	s2 =	sadd.s32 s28, s2  }
0x16: {  	s16 =	smax.u32 s16, $0x1;
	s23 =	simm.s32 $0x8000;
	s0 =	sadd.s32 s29, s0  }
0x17: {  	v0 =	vimm.f32 $0.0e+00;
	s26 =	simm.s32 $0x10600;
	s17 =	sadd.s32 s31, s2;
	s0 =	sadd.s32 $0x60000, s0  }
.LBB2_5:
0x18: {  	s30 =	sadd.s32 $0x1, s30  }
0x19: {  	p1 =	sne.s32 s30, s16  }
.Ltmp1:
0x1a: {  	_ = 	snop;
	(pc) =	sbr.rel @!p1 .LBB2_6-.Ltmp1, $1  }
0x1b: {  	_ =	sdelay $0x3  }
.LBB2_1:
0x1c: {  	[tilespmem:$0x10200] =	vst v0  }
0x1d: {  	[tilespmem:$0x10210] =	vst v0  }
0x1e: {  	[tilespmem:$0x10220] =	vst v0  }
0x1f: {  	[tilespmem:$0x10230] =	vst v0  }
0x20: {  	[tilespmem:$0x10240] =	vst v0  }
0x21: {  	[tilespmem:$0x10250] =	vst v0  }
0x22: {  	[tilespmem:$0x10260] =	vst v0  }
0x23: {  	[tilespmem:$0x10270] =	vst v0  }
0x24: {  	[tilespmem:$0x10280] =	vst v0  }
0x25: {  	[tilespmem:$0x10290] =	vst v0  }
0x26: {  	[tilespmem:$0x102A0] =	vst v0  }
0x27: {  	[tilespmem:$0x102B0] =	vst v0  }
0x28: {  	[tilespmem:$0x102C0] =	vst v0  }
0x29: {  	[tilespmem:$0x102D0] =	vst v0  }
0x2a: {  	[tilespmem:$0x102E0] =	vst v0  }
0x2b: {  	[tilespmem:$0x102F0] =	vst v0  }
0x2c: {  	[tilespmem:$0x10300] =	vst v0  }
0x2d: {  	[tilespmem:$0x10310] =	vst v0  }
0x2e: {  	[tilespmem:$0x10320] =	vst v0  }
0x2f: {  	[tilespmem:$0x10330] =	vst v0  }
0x30: {  	[tilespmem:$0x10340] =	vst v0  }
0x31: {  	[tilespmem:$0x10350] =	vst v0  }
0x32: {  	[tilespmem:$0x10360] =	vst v0  }
0x33: {  	[tilespmem:$0x10370] =	vst v0  }
0x34: {  	[tilespmem:$0x10380] =	vst v0  }
0x35: {  	[tilespmem:$0x10390] =	vst v0  }
0x36: {  	[tilespmem:$0x103A0] =	vst v0  }
0x37: {  	[tilespmem:$0x103B0] =	vst v0  }
0x38: {  	[tilespmem:$0x103C0] =	vst v0  }
0x39: {  	[tilespmem:$0x103D0] =	vst v0  }
0x3a: {  	[tilespmem:$0x103E0] =	vst v0  }
0x3b: {  	[tilespmem:$0x103F0] =	vst v0  }
0x3c: {  	[tilespmem:$0x10400] =	vst v0  }
0x3d: {  	[tilespmem:$0x10410] =	vst v0  }
0x3e: {  	[tilespmem:$0x10420] =	vst v0  }
0x3f: {  	[tilespmem:$0x10430] =	vst v0  }
0x40: {  	[tilespmem:$0x10440] =	vst v0  }
0x41: {  	[tilespmem:$0x10450] =	vst v0  }
0x42: {  	[tilespmem:$0x10460] =	vst v0  }
0x43: {  	[tilespmem:$0x10470] =	vst v0  }
0x44: {  	[tilespmem:$0x10480] =	vst v0  }
0x45: {  	[tilespmem:$0x10490] =	vst v0  }
0x46: {  	[tilespmem:$0x104A0] =	vst v0  }
0x47: {  	[tilespmem:$0x104B0] =	vst v0  }
0x48: {  	[tilespmem:$0x104C0] =	vst v0  }
0x49: {  	[tilespmem:$0x104D0] =	vst v0  }
0x4a: {  	[tilespmem:$0x104E0] =	vst v0  }
0x4b: {  	[tilespmem:$0x104F0] =	vst v0  }
0x4c: {  	[tilespmem:$0x10500] =	vst v0  }
0x4d: {  	[tilespmem:$0x10510] =	vst v0  }
0x4e: {  	[tilespmem:$0x10520] =	vst v0  }
0x4f: {  	[tilespmem:$0x10530] =	vst v0  }
0x50: {  	[tilespmem:$0x10540] =	vst v0  }
0x51: {  	[tilespmem:$0x10550] =	vst v0  }
0x52: {  	[tilespmem:$0x10560] =	vst v0  }
0x53: {  	[tilespmem:$0x10570] =	vst v0  }
0x54: {  	[tilespmem:$0x10580] =	vst v0  }
0x55: {  	[tilespmem:$0x10590] =	vst v0  }
0x56: {  	[tilespmem:$0x105A0] =	vst v0  }
0x57: {  	[tilespmem:$0x105B0] =	vst v0  }
0x58: {  	[tilespmem:$0x105C0] =	vst v0  }
0x59: {  	[tilespmem:$0x105D0] =	vst v0  }
0x5a: {  	[tilespmem:$0x105E0] =	vst v0  }
0x5b: {  	[tilespmem:$0x105F0] =	vst v0  }
0x5c: {  	[tilespmem:$0x10600] =	vst v0  }
0x5d: {  	[tilespmem:$0x10610] =	vst v0  }
0x5e: {  	[tilespmem:$0x10620] =	vst v0  }
0x5f: {  	[tilespmem:$0x10630] =	vst v0  }
0x60: {  	[tilespmem:$0x10640] =	vst v0  }
0x61: {  	[tilespmem:$0x10650] =	vst v0  }
0x62: {  	[tilespmem:$0x10660] =	vst v0  }
0x63: {  	[tilespmem:$0x10670] =	vst v0;
	s2 =	simm.s32 $0x10200  }
0x64: {  	[spmem:s6] =	stream.linear.scatter [tilespmem:s2], [sflag:$0x3], $0x400, $0x38;
	[tilespmem:$0x11300] =	vst v63  }
0x65: {  	_ =	swait.ge [sflag:s20], $0x400  }
0x66: {  	[sflag:s20] =	ssyncset.done $0x0  }
0x67: {  	[sflag:s20] =	ssyncadd.s32 $0xFFFFFC00  }
0x68: {  	[bflag:$0x0] =	sbarrier.arrive $0xFFFF  }
0x69: {  	[tilespmem:s3], [sflag:$0x1] =	stream.linear.gather [hbm4b:s7+s3], $0x8000, $0x38;
	[tilespmem:$0x11300] =	vst v63  }
0x6a: {  	_ = 	snop  }
0x6b: {  	[tilespmem:s21], [sflag:$0x1] =	stream.linear.gather [hbm4b:s8+s3], $0x80, $0x38;
	[tilespmem:$0x11300] =	vst v63  }
0x6c: {  	_ = 	snop  }
0x6d: {  	[tilespmem:s22], [sflag:$0x1] =	stream.linear.gather [hbm4b:s9+s3], $0x80, $0x38;
	[tilespmem:$0x11300] =	vst v63  }
0x6e: {  	_ = 	snop  }
0x6f: {  	[tilespmem:s23], [sflag:$0x2] =	stream.linear.gather [hbm4b:s10+s3], $0x8000, $0x38;
	[tilespmem:$0x11300] =	vst v63  }
0x70: {  	_ = 	snop  }
0x71: {  	[tilespmem:s24], [sflag:$0x2] =	stream.linear.gather [hbm4b:s11+s3], $0x80, $0x38;
	[tilespmem:$0x11300] =	vst v63  }
0x72: {  	s31 =	smov.u32 s5;
	s18 =	smov.u32 s0;
	s2 =	simm.s32 $0x0  }
0x73: {  	[tilespmem:s25], [sflag:$0x2] =	stream.linear.gather [hbm4b:s12+s3], $0x80, $0x38;
	[tilespmem:$0x11300] =	vst v63  }
.LBB2_2:
0x74: {  	p1 =	sgt.u32 s31, $0x18F  }
0x75: {  	s28 =	simm.s32 @!p1 $0x1  }
0x76: {  	_ =	swait.ge @!p1 [sflag:s28], $0x8000  }
0x77: {  	[sflag:s28] =	ssyncset.done @!p1 $0x0  }
0x78: {  	[sflag:s28] =	ssyncadd.s32 @!p1 $0xFFFF8000  }
0x79: {  	_ =	swait.ge @!p1 [sflag:s28], $0x80  }
0x7a: {  	[sflag:s28] =	ssyncset.done @!p1 $0x0  }
0x7b: {  	[sflag:s28] =	ssyncadd.s32 @!p1 $0xFFFFFF80  }
0x7c: {  	_ =	swait.ge @!p1 [sflag:s28], $0x80  }
0x7d: {  	s29 =	simm.s32 @!p1 $0x10000;
	[sflag:s28] =	ssyncset.done @!p1 $0x0  }
0x7e: {  	s14 =	simm.s32 @!p1 $0x0;
	[sflag:s28] =	ssyncadd.s32 @!p1 $0xFFFFFF80;
	s28 =	simm.s32 @!p1 $0x80  }
0x7f: {  	[spmem:s1] =	stream.indirect.scatter.add.f32 @!p1 [tilespmem:s14], [sflag:$0x3], $0x80, s29, s28, $0xb8;
	[tilespmem:$0x11300] =	vst v63  }
0x80: {  	s14 =	simm.s32 @!p1 $0x3  }
0x81: {  	_ =	swait.ge @!p1 [sflag:s14], $0x4000  }
0x82: {  	[sflag:s14] =	ssyncset.done @!p1 $0x0  }
0x83: {  	s15 =	simm.s32 @!p1 $0x4000;
	s29 =	simm.s32 @!p1 $0x10080;
	[sflag:s14] =	ssyncadd.s32 @!p1 $0xFFFFC000  }
0x84: {  	[spmem:s1] =	stream.indirect.scatter.add.f32 @!p1 [tilespmem:s15], [sflag:$0x3], $0x80, s29, s28, $0xb8;
	[tilespmem:$0x11300] =	vst v63  }
0x85: {  	_ =	swait.ge @!p1 [sflag:s14], $0x4000  }
0x86: {  	[sflag:s14] =	ssyncset.done @!p1 $0x0  }
0x87: {  	[sflag:s14] =	ssyncadd.s32 @!p1 $0xFFFFC000  }
0x88: {  	v1 =	vld @!p1 [tilespmem:$0x10000];
	_ =	sdelay $0x6  }
0x89: {  	v2 =	vimm.f32 @!p1 $1.000000000e+00;
	s14 =	simm.s32 @!p1 $0x10600  }
0x8a: {  	[tilespmem:v1+s14+$0x0] =	vst.idx.add.f32.msk @!p1 $0xffff, v2  }
0x8b: {  	v1 =	vld @!p1 [tilespmem:$0x10010];
	_ =	sdelay $0x7  }
0x8c: {  	[tilespmem:v1+s14+$0x0] =	vst.idx.add.f32.msk @!p1 $0xffff, v2  }
0x8d: {  	v1 =	vld @!p1 [tilespmem:$0x10020];
	_ =	sdelay $0x7  }
0x8e: {  	[tilespmem:v1+s14+$0x0] =	vst.idx.add.f32.msk @!p1 $0xffff, v2  }
0x8f: {  	v1 =	vld @!p1 [tilespmem:$0x10030];
	_ =	sdelay $0x7  }
0x90: {  	[tilespmem:v1+s14+$0x0] =	vst.idx.add.f32.msk @!p1 $0xffff, v2  }
0x91: {  	v1 =	vld @!p1 [tilespmem:$0x10040];
	_ =	sdelay $0x7  }
0x92: {  	[tilespmem:v1+s14+$0x0] =	vst.idx.add.f32.msk @!p1 $0xffff, v2  }
0x93: {  	v1 =	vld @!p1 [tilespmem:$0x10050];
	_ =	sdelay $0x7  }
0x94: {  	[tilespmem:v1+s14+$0x0] =	vst.idx.add.f32.msk @!p1 $0xffff, v2  }
0x95: {  	v1 =	vld @!p1 [tilespmem:$0x10060];
	_ =	sdelay $0x7  }
0x96: {  	[tilespmem:v1+s14+$0x0] =	vst.idx.add.f32.msk @!p1 $0xffff, v2  }
0x97: {  	v1 =	vld @!p1 [tilespmem:$0x10070];
	_ =	sdelay $0x7  }
0x98: {  	[tilespmem:v1+s14+$0x0] =	vst.idx.add.f32.msk @!p1 $0xffff, v2  }
0x99: {  	v1 =	vld @!p1 [tilespmem:$0x10080];
	_ =	sdelay $0x7  }
0x9a: {  	[tilespmem:v1+s14+$0x0] =	vst.idx.add.f32.msk @!p1 $0xffff, v2  }
0x9b: {  	v1 =	vld @!p1 [tilespmem:$0x10090];
	_ =	sdelay $0x7  }
0x9c: {  	[tilespmem:v1+s14+$0x0] =	vst.idx.add.f32.msk @!p1 $0xffff, v2  }
0x9d: {  	v1 =	vld @!p1 [tilespmem:$0x100A0];
	_ =	sdelay $0x7  }
0x9e: {  	[tilespmem:v1+s14+$0x0] =	vst.idx.add.f32.msk @!p1 $0xffff, v2  }
0x9f: {  	v1 =	vld @!p1 [tilespmem:$0x100B0];
	_ =	sdelay $0x7  }
0xa0: {  	[tilespmem:v1+s14+$0x0] =	vst.idx.add.f32.msk @!p1 $0xffff, v2  }
0xa1: {  	v1 =	vld @!p1 [tilespmem:$0x100C0];
	_ =	sdelay $0x7  }
0xa2: {  	[tilespmem:v1+s14+$0x0] =	vst.idx.add.f32.msk @!p1 $0xffff, v2  }
0xa3: {  	v1 =	vld @!p1 [tilespmem:$0x100D0];
	_ =	sdelay $0x7  }
0xa4: {  	[tilespmem:v1+s14+$0x0] =	vst.idx.add.f32.msk @!p1 $0xffff, v2  }
0xa5: {  	v1 =	vld @!p1 [tilespmem:$0x100E0];
	_ =	sdelay $0x7  }
0xa6: {  	[tilespmem:v1+s14+$0x0] =	vst.idx.add.f32.msk @!p1 $0xffff, v2  }
0xa7: {  	v1 =	vld @!p1 [tilespmem:$0x100F0];
	_ =	sdelay $0x4  }
0xa8: {  	s28 =	sadd.s32 s31, s4  }
0xa9: {  	s19 =	sadd.s32 $0x40, s28  }
0xaa: {  	p2 =	sgt.u32 s19, $0x18F  }
0xab: {  	s15 =	simm.s32 @!p2 $0x0;
	[tilespmem:v1+s14+$0x0] =	vst.idx.add.f32.msk @!p1 $0xffff, v2;
	s14 =	sadd.s32 @!p2 $0xFFFE0000, s18  }
0xac: {  	[tilespmem:s15], [sflag:$0x1] =	stream.linear.gather @!p2 [hbm4b:s14+s15], $0x8000, $0x38;
	[tilespmem:$0x11300] =	vst v63  }
0xad: {  	s14 =	sadd.s32 @!p2 s2, s17  }
0xae: {  	s19 =	simm.s32 @!p2 $0x10000;
	s29 =	sadd.s32 @!p2 $0x800, s14  }
0xaf: {  	[tilespmem:s19], [sflag:$0x1] =	stream.linear.gather @!p2 [hbm4b:s29+s15], $0x80, $0x38;
	[tilespmem:$0x11300] =	vst v63  }
0xb0: {  	p1 =	sgt.u32 s31, $0x16F;
	s14 =	sadd.s32 @!p2 $0x810, s14;
	s19 =	simm.s32 @!p2 $0x10080  }
0xb1: {  	[tilespmem:s19], [sflag:$0x1] =	stream.linear.gather @!p2 [hbm4b:s14+s15], $0x80, $0x38;
	[tilespmem:$0x11300] =	vst v63  }
0xb2: {  	s14 =	simm.s32 @!p1 $0x2  }
0xb3: {  	_ =	swait.ge @!p1 [sflag:s14], $0x8000  }
0xb4: {  	[sflag:s14] =	ssyncset.done @!p1 $0x0  }
0xb5: {  	[sflag:s14] =	ssyncadd.s32 @!p1 $0xFFFF8000  }
0xb6: {  	_ =	swait.ge @!p1 [sflag:s14], $0x80  }
0xb7: {  	[sflag:s14] =	ssyncset.done @!p1 $0x0  }
0xb8: {  	[sflag:s14] =	ssyncadd.s32 @!p1 $0xFFFFFF80  }
0xb9: {  	_ =	swait.ge @!p1 [sflag:s14], $0x80  }
0xba: {  	s15 =	simm.s32 @!p1 $0x10100;
	[sflag:s14] =	ssyncset.done @!p1 $0x0  }
0xbb: {  	s19 =	simm.s32 @!p1 $0x8000;
	[sflag:s14] =	ssyncadd.s32 @!p1 $0xFFFFFF80;
	s14 =	simm.s32 @!p1 $0x80  }
0xbc: {  	[spmem:s1] =	stream.indirect.scatter.add.f32 @!p1 [tilespmem:s19], [sflag:$0x3], $0x80, s15, s14, $0xb8;
	[tilespmem:$0x11300] =	vst v63  }
0xbd: {  	s15 =	simm.s32 @!p1 $0x3  }
0xbe: {  	_ =	swait.ge @!p1 [sflag:s15], $0x4000  }
0xbf: {  	[sflag:s15] =	ssyncset.done @!p1 $0x0  }
0xc0: {  	s29 =	simm.s32 @!p1 $0xC000;
	s19 =	simm.s32 @!p1 $0x10180;
	[sflag:s15] =	ssyncadd.s32 @!p1 $0xFFFFC000  }
0xc1: {  	[spmem:s1] =	stream.indirect.scatter.add.f32 @!p1 [tilespmem:s29], [sflag:$0x3], $0x80, s19, s14, $0xb8;
	[tilespmem:$0x11300] =	vst v63  }
0xc2: {  	_ =	swait.ge @!p1 [sflag:s15], $0x4000  }
0xc3: {  	[sflag:s15] =	ssyncset.done @!p1 $0x0  }
0xc4: {  	[sflag:s15] =	ssyncadd.s32 @!p1 $0xFFFFC000  }
0xc5: {  	v1 =	vld @!p1 [tilespmem:$0x10100];
	_ =	sdelay $0x6  }
0xc6: {  	v2 =	vimm.f32 @!p1 $1.000000000e+00;
	s14 =	simm.s32 @!p1 $0x10600  }
0xc7: {  	[tilespmem:v1+s14+$0x0] =	vst.idx.add.f32.msk @!p1 $0xffff, v2  }
0xc8: {  	v1 =	vld @!p1 [tilespmem:$0x10110];
	_ =	sdelay $0x7  }
0xc9: {  	[tilespmem:v1+s14+$0x0] =	vst.idx.add.f32.msk @!p1 $0xffff, v2  }
0xca: {  	v1 =	vld @!p1 [tilespmem:$0x10120];
	_ =	sdelay $0x7  }
0xcb: {  	[tilespmem:v1+s14+$0x0] =	vst.idx.add.f32.msk @!p1 $0xffff, v2  }
0xcc: {  	v1 =	vld @!p1 [tilespmem:$0x10130];
	_ =	sdelay $0x7  }
0xcd: {  	[tilespmem:v1+s14+$0x0] =	vst.idx.add.f32.msk @!p1 $0xffff, v2  }
0xce: {  	v1 =	vld @!p1 [tilespmem:$0x10140];
	_ =	sdelay $0x7  }
0xcf: {  	[tilespmem:v1+s14+$0x0] =	vst.idx.add.f32.msk @!p1 $0xffff, v2  }
0xd0: {  	v1 =	vld @!p1 [tilespmem:$0x10150];
	_ =	sdelay $0x7  }
0xd1: {  	[tilespmem:v1+s14+$0x0] =	vst.idx.add.f32.msk @!p1 $0xffff, v2  }
0xd2: {  	v1 =	vld @!p1 [tilespmem:$0x10160];
	_ =	sdelay $0x7  }
0xd3: {  	[tilespmem:v1+s14+$0x0] =	vst.idx.add.f32.msk @!p1 $0xffff, v2  }
0xd4: {  	v1 =	vld @!p1 [tilespmem:$0x10170];
	_ =	sdelay $0x7  }
0xd5: {  	[tilespmem:v1+s14+$0x0] =	vst.idx.add.f32.msk @!p1 $0xffff, v2  }
0xd6: {  	v1 =	vld @!p1 [tilespmem:$0x10180];
	_ =	sdelay $0x7  }
0xd7: {  	[tilespmem:v1+s14+$0x0] =	vst.idx.add.f32.msk @!p1 $0xffff, v2  }
0xd8: {  	v1 =	vld @!p1 [tilespmem:$0x10190];
	_ =	sdelay $0x7  }
0xd9: {  	[tilespmem:v1+s14+$0x0] =	vst.idx.add.f32.msk @!p1 $0xffff, v2  }
0xda: {  	v1 =	vld @!p1 [tilespmem:$0x101A0];
	_ =	sdelay $0x7  }
0xdb: {  	[tilespmem:v1+s14+$0x0] =	vst.idx.add.f32.msk @!p1 $0xffff, v2  }
0xdc: {  	v1 =	vld @!p1 [tilespmem:$0x101B0];
	_ =	sdelay $0x7  }
0xdd: {  	[tilespmem:v1+s14+$0x0] =	vst.idx.add.f32.msk @!p1 $0xffff, v2  }
0xde: {  	v1 =	vld @!p1 [tilespmem:$0x101C0];
	_ =	sdelay $0x7  }
0xdf: {  	[tilespmem:v1+s14+$0x0] =	vst.idx.add.f32.msk @!p1 $0xffff, v2  }
0xe0: {  	v1 =	vld @!p1 [tilespmem:$0x101D0];
	_ =	sdelay $0x7  }
0xe1: {  	[tilespmem:v1+s14+$0x0] =	vst.idx.add.f32.msk @!p1 $0xffff, v2  }
0xe2: {  	v1 =	vld @!p1 [tilespmem:$0x101E0];
	_ =	sdelay $0x7  }
0xe3: {  	[tilespmem:v1+s14+$0x0] =	vst.idx.add.f32.msk @!p1 $0xffff, v2  }
0xe4: {  	v1 =	vld @!p1 [tilespmem:$0x101F0];
	_ =	sdelay $0x5  }
0xe5: {  	s29 =	sadd.s32 $0x60, s28  }
0xe6: {  	p2 =	sgt.u32 s29, $0x18F  }
0xe7: {  	s15 =	simm.s32 @!p2 $0x8000;
	[tilespmem:v1+s14+$0x0] =	vst.idx.add.f32.msk @!p1 $0xffff, v2;
	s14 =	simm.s32 @!p2 $0x0  }
0xe8: {  	[tilespmem:s15], [sflag:$0x2] =	stream.linear.gather @!p2 [hbm4b:s18+s14], $0x8000, $0x38;
	[tilespmem:$0x11300] =	vst v63  }
0xe9: {  	s15 =	sadd.s32 @!p2 s2, s17;
	s2 =	sadd.s32 $0x800, s2  }
0xea: {  	p1 =	sne.s32 s2, $0x3800  }
.Ltmp2:
0xeb: {  	_ = 	snop;
	(pc) =	sbr.rel @p1 .LBB2_2-.Ltmp2, $4  }
0xec: {  	s31 =	sadd.s32 $0x40, s31;
	s28 =	simm.s32 @!p2 $0x10100;
	s19 =	sadd.s32 @!p2 $0xC00, s15  }
0xed: {  	[tilespmem:s28], [sflag:$0x2] =	stream.linear.gather @!p2 [hbm4b:s19+s14], $0x80, $0x38;
	[tilespmem:$0x11300] =	vst v63  }
0xee: {  	s18 =	sadd.s32 $0x40000, s18;
	s15 =	sadd.s32 @!p2 $0xC10, s15;
	s19 =	simm.s32 @!p2 $0x10180  }
0xef: {  	[tilespmem:s19], [sflag:$0x2] =	stream.linear.gather @!p2 [hbm4b:s15+s14], $0x80, $0x38;
	[tilespmem:$0x11300] =	vst v63  }
0xf0: {  	[spmem:s13] =	stream.linear.scatter [tilespmem:s26], [sflag:$0x3], $0x80, $0x38;
	[tilespmem:$0x11300] =	vst v63  }
.Ltmp3:
0xf1: {  	_ =	swait.ge [sflag:s20], $0x80;
	(pc) =	sbr.rel @p0 .LBB2_5-.Ltmp3, $3  }
0xf2: {  	[sflag:s20] =	ssyncset.done $0x0  }
0xf3: {  	[sflag:s20] =	ssyncadd.s32 $0xFFFFFF80  }
0xf4: {  	[bflag:$0x0] =	sbarrier.arrive $0xFFFF;
	_ =	sdelay $0x1  }
0xf5: {  	s2 =	sshrl.u32 s1, $0x3;
	s14 =	rddreg [dreg:$0x7];
	s15 =	simm.s32 $0x1C03  }
0xf6: {  	[hbm:s14], [sflag:s15] =	dma.local [spmem:s2], $0x800  }
0xf7: {  	_ =	swait.ge [sflag:s20], $0x800  }
0xf8: {  	[sflag:s20] =	ssyncset.done $0x0  }
0xf9: {  	[sflag:s20] =	ssyncadd.s32 $0xFFFFF800  }
0xfa: {  	s29 =	simm.s32 $0x10680;
	s28 =	rddreg [dreg:$0x5]  }
0xfb: {  	[tilespmem:s29], [sflag:$0x3] =	stream.linear.gather [spmem:s28], $0x800, $0x38;
	[tilespmem:$0x11300] =	vst v63  }
0xfc: {  	_ =	swait.ge [sflag:s20], $0x800  }
0xfd: {  	[sflag:s20] =	ssyncset.done $0x0  }
0xfe: {  	[sflag:s20] =	ssyncadd.s32 $0xFFFFF800  }
0xff: {  	v1 =	vld [tilespmem:$0x10680]  }
0x100: {  	v2 =	vld [tilespmem:$0x10700]  }
0x101: {  	v3 =	vld [tilespmem:$0x10780]  }
0x102: {  	v4 =	vld [tilespmem:$0x10800]  }
0x103: {  	v10 =	vld [tilespmem:$0x10880]  }
0x104: {  	v11 =	vld [tilespmem:$0x10900]  }
0x105: {  	v12 =	vld [tilespmem:$0x10980]  }
0x106: {  	v13 =	vld [tilespmem:$0x10A00]  }
0x107: {  	v16 =	vld [tilespmem:$0x10A80]  }
0x108: {  	v18 =	vld [tilespmem:$0x10B00]  }
0x109: {  	v31 =	vld [tilespmem:$0x10B80]  }
0x10a: {  	v5 =	vld [tilespmem:$0x10C00]  }
0x10b: {  	v44 =	vld [tilespmem:$0x10C80]  }
0x10c: {  	v45 =	vld [tilespmem:$0x10D00]  }
0x10d: {  	v46 =	vld [tilespmem:$0x10D80]  }
0x10e: {  	v47 =	vld [tilespmem:$0x10E00]  }
0x10f: {  	v6 =	vld [tilespmem:$0x10690]  }
0x110: {  	v8 =	vld [tilespmem:$0x10710]  }
0x111: {  	v20 =	vld [tilespmem:$0x10790]  }
0x112: {  	v21 =	vld [tilespmem:$0x10810]  }
0x113: {  	v22 =	vld [tilespmem:$0x10890]  }
0x114: {  	v23 =	vld [tilespmem:$0x10910]  }
0x115: {  	v24 =	vld [tilespmem:$0x10990]  }
0x116: {  	v25 =	vld [tilespmem:$0x10A10]  }
0x117: {  	v26 =	vld [tilespmem:$0x10A90]  }
0x118: {  	v27 =	vld [tilespmem:$0x10B10]  }
0x119: {  	v28 =	vld [tilespmem:$0x10B90]  }
0x11a: {  	v29 =	vld [tilespmem:$0x10C10]  }
0x11b: {  	v30 =	vld [tilespmem:$0x10C90]  }
0x11c: {  	v48 =	vld [tilespmem:$0x10D10]  }
0x11d: {  	v49 =	vld [tilespmem:$0x10D90]  }
0x11e: {  	v50 =	vld [tilespmem:$0x10E10]  }
0x11f: {  	v9 =	vld [tilespmem:$0x106A0]  }
0x120: {  	v34 =	vld [tilespmem:$0x10720]  }
0x121: {  	v35 =	vld [tilespmem:$0x107A0]  }
0x122: {  	v36 =	vld [tilespmem:$0x10820]  }
0x123: {  	v37 =	vld [tilespmem:$0x108A0]  }
0x124: {  	v38 =	vld [tilespmem:$0x10920]  }
0x125: {  	v39 =	vld [tilespmem:$0x109A0]  }
0x126: {  	v40 =	vld [tilespmem:$0x10A20]  }
0x127: {  	v41 =	vld [tilespmem:$0x10AA0]  }
0x128: {  	v42 =	vld [tilespmem:$0x10B20]  }
0x129: {  	v43 =	vld [tilespmem:$0x10BA0]  }
0x12a: {  	v51 =	vld [tilespmem:$0x107B0]  }
0x12b: {  	v52 =	vld [tilespmem:$0x10830]  }
0x12c: {  	v53 =	vld [tilespmem:$0x108B0]  }
0x12d: {  	v54 =	vld [tilespmem:$0x10930]  }
0x12e: {  	v55 =	vld [tilespmem:$0x109B0]  }
0x12f: {  	v56 =	vld [tilespmem:$0x10A30]  }
0x130: {  	v57 =	vld [tilespmem:$0x10AB0]  }
0x131: {  	v58 =	vld [tilespmem:$0x10B30]  }
0x132: {  	v59 =	vld [tilespmem:$0x10BB0]  }
0x133: {  	v60 =	vld [tilespmem:$0x10C30]  }
0x134: {  	v61 =	vld [tilespmem:$0x10CB0]  }
0x135: {  	v62 =	vld [tilespmem:$0x10D30]  }
0x136: {  	v63 =	vld [tilespmem:$0x10DB0]  }
0x137: {  	v14 =	vld [tilespmem:$0x10E30]  }
0x138: {  	v7 =	vld [tilespmem:$0x106C0]  }
0x139: {  	v15 =	vld [tilespmem:$0x107C0]  }
0x13a: {  	v17 =	vld [tilespmem:$0x10840]  }
0x13b: {  	v19 =	vld [tilespmem:$0x108C0]  }
0x13c: {  	v32 =	vld [tilespmem:$0x10940]  }
0x13d: {  	v33 =	vld [tilespmem:$0x109C0]  }
0x13e: {  	[tilespmem:$0x1FF80] =	vst v44;
	v44 =	vld [tilespmem:$0x10C20]  }
0x13f: {  	[tilespmem:$0x1FF90] =	vst v45;
	v45 =	vld [tilespmem:$0x10CA0]  }
0x140: {  	[tilespmem:$0x1FFB0] =	vst v46;
	v46 =	vld [tilespmem:$0x10D20]  }
0x141: {  	[tilespmem:$0x1FFD0] =	vst v47;
	v47 =	vld [tilespmem:$0x10DA0]  }
0x142: {  	[tilespmem:$0x1FFA0] =	vst v48;
	v48 =	vld [tilespmem:$0x10E20]  }
0x143: {  	[tilespmem:$0x1FFC0] =	vst v49;
	v49 =	vld [tilespmem:$0x106B0]  }
0x144: {  	[tilespmem:$0x1FFE0] =	vst v50;
	v50 =	vld [tilespmem:$0x10730]  }
0x145: {  	[tilespmem:$0x1FF70] =	vst v5;
	v5 =	vld [tilespmem:$0x10740]  }
0x146: {  	v1 =	vadd.f32 v2, v1;
	v2 =	vld [tilespmem:$0x10A40]  }
0x147: {  	v6 =	vadd.f32 v8, v6;
	v8 =	vld [tilespmem:$0x10AC0]  }
0x148: {  	v1 =	vadd.f32 v3, v1;
	v3 =	vadd.f32 v34, v9;
	v9 =	vld [tilespmem:$0x10B40]  }
0x149: {  	v34 =	vadd.f32 v20, v6;
	v20 =	vld [tilespmem:$0x10BC0]  }
0x14a: {  	v6 =	vld [tilespmem:$0x10C40]  }
0x14b: {  	v1 =	vadd.f32 v4, v1;
	v4 =	vld [tilespmem:$0x10CC0]  }
0x14c: {  	v3 =	vadd.f32 v35, v3;
	v21 =	vadd.f32 v21, v34;
	v34 =	vld [tilespmem:$0x10750]  }
0x14d: {  	v49 =	vadd.f32 v50, v49;
	v50 =	vld [tilespmem:$0x1FFC0]  }
0x14e: {  	v35 =	vadd.f32 v36, v3;
	v3 =	vld [tilespmem:$0x10D40]  }
0x14f: {  	v1 =	vadd.f32 v10, v1;
	v10 =	vld [tilespmem:$0x10DC0]  }
0x150: {  	v21 =	vadd.f32 v22, v21;
	v51 =	vadd.f32 v51, v49;
	v49 =	vld [tilespmem:$0x10760]  }
0x151: {  	v11 =	vadd.f32 v11, v1;
	v1 =	vld [tilespmem:$0x10E40]  }
0x152: {  	v21 =	vadd.f32 v23, v21;
	v23 =	vld [tilespmem:$0x106D0]  }
0x153: {  	v37 =	vadd.f32 v37, v35;
	v35 =	vld [tilespmem:$0x10C50]  }
0x154: {  	v36 =	vadd.f32 v52, v51;
	v51 =	vld [tilespmem:$0x106F0]  }
0x155: {  	v52 =	vld [tilespmem:$0x1FFD0]  }
0x156: {  	v5 =	vadd.f32 v5, v7;
	v21 =	vadd.f32 v24, v21;
	v24 =	vld [tilespmem:$0x107D0]  }
0x157: {  	v11 =	vadd.f32 v12, v11;
	v22 =	vadd.f32 v53, v36;
	v36 =	vld [tilespmem:$0x10D50]  }
0x158: {  	v5 =	vadd.f32 v15, v5;
	v53 =	vld [tilespmem:$0x10770]  }
0x159: {  	v38 =	vadd.f32 v38, v37;
	v11 =	vadd.f32 v13, v11;
	v13 =	vld [tilespmem:$0x10850]  }
0x15a: {  	v21 =	vadd.f32 v25, v21;
	v25 =	vld [tilespmem:$0x108D0]  }
0x15b: {  	v5 =	vadd.f32 v17, v5;
	v12 =	vadd.f32 v39, v38;
	v38 =	vld [tilespmem:$0x10960]  }
0x15c: {  	v39 =	vld [tilespmem:$0x10970]  }
0x15d: {  	v5 =	vadd.f32 v19, v5;
	v22 =	vadd.f32 v54, v22;
	v54 =	vld [tilespmem:$0x1FFE0]  }
0x15e: {  	v11 =	vadd.f32 v16, v11;
	v12 =	vadd.f32 v40, v12;
	v16 =	vld [tilespmem:$0x10950]  }
0x15f: {  	v21 =	vadd.f32 v26, v21;
	v26 =	vld [tilespmem:$0x109D0];
	v22 =	vadd.f32 v55, v22  }
0x160: {  	v5 =	vadd.f32 v32, v5;
	v40 =	vld [tilespmem:$0x1FF70];
	v11 =	vadd.f32 v18, v11  }
0x161: {  	v55 =	vld [tilespmem:$0x107E0];
	v12 =	vadd.f32 v41, v12;
	v22 =	vadd.f32 v56, v22  }
0x162: {  	v18 =	vld [tilespmem:$0x10A50];
	v21 =	vadd.f32 v27, v21;
	v11 =	vadd.f32 v31, v11  }
0x163: {  	v41 =	vld [tilespmem:$0x1FF80];
	v12 =	vadd.f32 v42, v12;
	v22 =	vadd.f32 v57, v22  }
0x164: {  	v21 =	vadd.f32 v28, v21;
	v42 =	vld [tilespmem:$0x1FF90];
	v57 =	vadd.f32 v34, v23  }
0x165: {  	v12 =	vadd.f32 v43, v12;
	v43 =	vld [tilespmem:$0x1FFA0];
	v22 =	vadd.f32 v58, v22  }
0x166: {  	v27 =	vld [tilespmem:$0x10AD0];
	v11 =	vadd.f32 v40, v11;
	v21 =	vadd.f32 v29, v21  }
0x167: {  	v12 =	vadd.f32 v44, v12;
	v44 =	vld [tilespmem:$0x106E0];
	v22 =	vadd.f32 v59, v22  }
0x168: {  	v56 =	vld [tilespmem:$0x107F0];
	v11 =	vadd.f32 v41, v11;
	v21 =	vadd.f32 v30, v21  }
0x169: {  	v12 =	vadd.f32 v45, v12;
	v45 =	vld [tilespmem:$0x1FFB0];
	v22 =	vadd.f32 v60, v22  }
0x16a: {  	v31 =	vld [tilespmem:$0x10B50];
	v11 =	vadd.f32 v42, v11;
	v21 =	vadd.f32 v43, v21  }
0x16b: {  	v28 =	vld [tilespmem:$0x10BD0];
	v12 =	vadd.f32 v46, v12;
	v22 =	vadd.f32 v61, v22  }
0x16c: {  	v58 =	vld [tilespmem:$0x10860];
	v21 =	vadd.f32 v50, v21;
	v59 =	vadd.f32 v49, v44  }
0x16d: {  	[tilespmem:$0x1FFF0] =	vst v33;
	v60 =	vld [tilespmem:$0x10870];
	v61 =	vadd.f32 v53, v51;
	v12 =	vadd.f32 v47, v12  }
0x16e: {  	v43 =	vld [tilespmem:$0x1FFF0];
	v11 =	vadd.f32 v45, v11;
	v22 =	vadd.f32 v62, v22  }
0x16f: {  	v21 =	vadd.f32 v54, v21;
	v62 =	vld [tilespmem:$0x108E0];
	v15 =	vadd.f32 v55, v59  }
0x170: {  	v7 =	vadd.f32 v56, v61;
	v22 =	vadd.f32 v63, v22;
	v63 =	vld [tilespmem:$0x108F0]  }
0x171: {  	v29 =	vld [tilespmem:$0x10CD0];
	v12 =	vadd.f32 v48, v12;
	v15 =	vadd.f32 v58, v15  }
0x172: {  	v40 =	vld [tilespmem:$0x109E0];
	v14 =	vadd.f32 v14, v22;
	v22 =	vadd.f32 v24, v57  }
0x173: {  	v30 =	vld [tilespmem:$0x10DD0];
	v5 =	vadd.f32 v43, v5;
	v7 =	vadd.f32 v60, v7  }
0x174: {  	v41 =	vld [tilespmem:$0x109F0];
	v15 =	vadd.f32 v62, v15;
	v13 =	vadd.f32 v13, v22  }
0x175: {  	v42 =	vld [tilespmem:$0x10A60];
	v11 =	vadd.f32 v52, v11;
	v7 =	vadd.f32 v63, v7  }
0x176: {  	v44 =	vld [tilespmem:$0x10A70];
	v15 =	vadd.f32 v38, v15;
	v13 =	vadd.f32 v25, v13  }
0x177: {  	v45 =	vld [tilespmem:$0x10AE0];
	v2 =	vadd.f32 v2, v5;
	v7 =	vadd.f32 v39, v7  }
0x178: {  	v47 =	vld [tilespmem:$0x10AF0];
	v46 =	vadd.f32 v40, v15;
	v13 =	vadd.f32 v16, v13  }
0x179: {  	v48 =	vld [tilespmem:$0x10B60];
	v2 =	vadd.f32 v8, v2;
	v7 =	vadd.f32 v41, v7  }
0x17a: {  	v49 =	vld [tilespmem:$0x10B70];
	v5 =	vadd.f32 v42, v46;
	v13 =	vadd.f32 v26, v13  }
0x17b: {  	v50 =	vld [tilespmem:$0x10BE0];
	v2 =	vadd.f32 v9, v2;
	v7 =	vadd.f32 v44, v7  }
0x17c: {  	v51 =	vld [tilespmem:$0x10BF0];
	v5 =	vadd.f32 v45, v5;
	v13 =	vadd.f32 v18, v13  }
0x17d: {  	v52 =	vld [tilespmem:$0x10C60];
	v2 =	vadd.f32 v20, v2;
	v7 =	vadd.f32 v47, v7  }
0x17e: {  	v53 =	vld [tilespmem:$0x10C70];
	v5 =	vadd.f32 v48, v5;
	v13 =	vadd.f32 v27, v13  }
0x17f: {  	v54 =	vld [tilespmem:$0x10CE0];
	v2 =	vadd.f32 v6, v2;
	v7 =	vadd.f32 v49, v7  }
0x180: {  	v55 =	vld [tilespmem:$0x10CF0];
	v5 =	vadd.f32 v50, v5;
	v13 =	vadd.f32 v31, v13  }
0x181: {  	v56 =	vld [tilespmem:$0x10D60];
	v2 =	vadd.f32 v4, v2;
	v7 =	vadd.f32 v51, v7  }
0x182: {  	v58 =	vld [tilespmem:$0x10D70];
	v57 =	vadd.f32 v52, v5;
	v13 =	vadd.f32 v28, v13  }
0x183: {  	v59 =	vld [tilespmem:$0x10DE0];
	v2 =	vadd.f32 v3, v2;
	v7 =	vadd.f32 v53, v7  }
0x184: {  	v60 =	vld [tilespmem:$0x10DF0];
	v3 =	vadd.f32 v54, v57;
	v13 =	vadd.f32 v35, v13  }
0x185: {  	v62 =	vld [tilespmem:$0x10E60];
	v2 =	vadd.f32 v10, v2;
	v6 =	vadd.f32 v55, v7  }
0x186: {  	v63 =	vld [tilespmem:$0x10E70];
	v3 =	vadd.f32 v56, v3;
	v13 =	vadd.f32 v29, v13  }
0x187: {  	v37 =	vld [tilespmem:$0x10E50];
	[tilespmem:$0x10610] =	vst v21;
	v1 =	vadd.f32 v1, v2;
	v5 =	vadd.f32 v58, v6  }
0x188: {  	[tilespmem:$0x10620] =	vst v12;
	v2 =	vadd.f32 v59, v3;
	v61 =	vadd.f32 v36, v13  }
0x189: {  	[tilespmem:$0x10600] =	vst v11;
	v4 =	vadd.f32 v60, v5  }
0x18a: {  	[tilespmem:$0x10640] =	vst v1;
	v1 =	vadd.f32 v62, v2;
	v8 =	vadd.f32 v30, v61  }
0x18b: {  	[tilespmem:$0x10630] =	vst v14;
	v2 =	vadd.f32 v63, v4  }
0x18c: {  	[tilespmem:$0x10660] =	vst v1;
	v3 =	vadd.f32 v37, v8  }
0x18d: {  	[tilespmem:$0x10670] =	vst v2  }
.Ltmp4:
0x18e: {  	s31 =	rddreg [dreg:$0x8];
	[tilespmem:$0x10650] =	vst v3;
	(pc) =	sbr.rel .LBB2_5-.Ltmp4, $4  }
0x18f: {  	[hbm4b:s31+s3] =	stream.linear.scatter [tilespmem:s26], [sflag:$0x3], $0x80, $0x38;
	[tilespmem:$0x11300] =	vst v63  }
0x190: {  	_ =	swait.ge [sflag:s20], $0x80  }
0x191: {  	[sflag:s20] =	ssyncset.done $0x0  }
0x192: {  	[sflag:s20] =	ssyncadd.s32 $0xFFFFFF80  }
.LBB2_6:
0x193: {  	_ =	sfence.sel $0x180000  }
0x194: {  	[bflag:$0x0] =	sbarrier.arrive $0xFFFF  }
0x195: {  	_ =	strace $0x90000047  }
0x196: {  	[bflag:$0x2] =	sbarrier.arrive $0xFFFF  }
0x197: {  	s0 =	rddreg [dreg:$0x6]  }
0x198: {  	s0 =	sadd.s32 @!p0 $0x100000, s0  }
0x199: {  	[sflag:s0] =	ssyncadd.tile.s32 @!p0 $0x1;
	_ =	shalt  }
.Lfunc_end2:
_tile_overlayer_lowered:
.L_overlay_start_2:
0x19a: {  	(tag) =	ssettag $0x2  }
0x19b: {  	s0 =	rddreg [dreg:$0x0];
	s2 =	stileid.u32  }
0x19c: {  	s1 =	rddreg [dreg:$0x1];
	p0 =	sne.s32 s2, $0x0  }
0x19d: {  	s3 =	rddreg [dreg:$0x2];
	[bflag:$0x3] =	sbarrier.arrive $0xFFFF;
	s2 =	simm.s32 @!p0 $0x1C03  }
0x19e: {  	[timem:s3], [sflag:s2] =	dma.local @!p0 [hbm:s0], s1  }
0x19f: {  	s0 =	simm.s32 @!p0 $0x3  }
0x1a0: {  	_ =	swait.ge @!p0 [sflag:s0], s1  }
0x1a1: {  	s1 =	ssub.s32 @!p0 $0x0, s1;
	[sflag:s0] =	ssyncset.done @!p0 $0x0  }
0x1a2: {  	[sflag:s0] =	ssyncadd.s32 @!p0 s1  }
0x1a3: {  	[bflag:$0x3] =	sbarrier.arrive $0xFFFF  }
0x1a4: {  	_ =	shalt  }

</sc_bundles>
